<compile_context>
chip_gen: v7x
topology: tpu7x:2x2x1
jax: 0.10.2.dev20260603
libtpu: 0.0.44.dev20260713+nightly
codegen_flags: <defaults>
</compile_context>

<pallas_src>
import functools

import jax
import jax.numpy as jnp
from jax import lax
from jax.experimental import pallas as pl
from jax.experimental.pallas import tpu as pltpu
from jax.experimental.pallas import tpu_sc as plsc

N_NODES = 10000
N_EDGES = 160000
CH = 256
HALF = 128
EPS = 1e-5

E_PAD = 163840
CHUNK = 128
NPAD = 10112
ROWS_PER_TILE = 632

_MESH = plsc.VectorSubcoreMesh(core_axis_name="c", subcore_axis_name="s")


@functools.partial(
    pl.kernel,
    out_type=jax.ShapeDtypeStruct((2 * NPAD, HALF), jnp.float32),
    mesh=_MESH,
    scratch_types=[
        pltpu.VMEM((1, CHUNK), jnp.int32),
        pltpu.VMEM((CHUNK, HALF), jnp.float32),
        pltpu.VMEM_SHARED((NPAD, HALF), jnp.float32),
    ],
)
def _sc_deg(dst_hbm, ones_hbm, zeros_hbm, out_hbm, dst_v, ones_v, deg_sh):
    cid = lax.axis_index("c")
    sid = lax.axis_index("s")
    pltpu.sync_copy(zeros_hbm, deg_sh.at[pl.ds(sid * ROWS_PER_TILE, ROWS_PER_TILE)])
    pltpu.sync_copy(ones_hbm, ones_v)
    plsc.subcore_barrier()

    n_chunks = E_PAD // 2 // 16 // CHUNK
    tile_base = (cid * 16 + sid) * (n_chunks * CHUNK)

    def body(k, carry):
        pltpu.sync_copy(dst_hbm.at[pl.ds(tile_base + k * CHUNK, CHUNK)],
                        dst_v.at[0])
        pltpu.sync_copy(ones_v, deg_sh.at[dst_v.at[0]], add=True)
        return carry

    lax.fori_loop(0, n_chunks, body, 0)
    plsc.subcore_barrier()
    row0 = sid * ROWS_PER_TILE
    pltpu.sync_copy(
        deg_sh.at[pl.ds(row0, ROWS_PER_TILE)],
        out_hbm.at[pl.ds(cid * NPAD + row0, ROWS_PER_TILE)],
    )


N_CHUNKS = E_PAD // 16 // CHUNK


@functools.partial(
    pl.kernel,
    out_type=jax.ShapeDtypeStruct((2 * NPAD, HALF), jnp.float32),
    mesh=_MESH,
    scratch_types=[
        pltpu.VMEM((CHUNK,), jnp.int32),
        pltpu.VMEM((CHUNK,), jnp.int32),
        pltpu.VMEM((1, CHUNK), jnp.int32),
        pltpu.VMEM((1, CHUNK), jnp.int32),
        pltpu.VMEM((CHUNK, HALF), jnp.float32),
        pltpu.VMEM((CHUNK, HALF), jnp.float32),
        pltpu.VMEM_SHARED((NPAD, HALF), jnp.float32),
        pltpu.SemaphoreType.DMA,
        pltpu.SemaphoreType.DMA,
    ],
)
def _sc_agg(xs_hbm, src_hbm, dst_hbm, zeros_hbm, out_hbm,
            src_v0, src_v1, dst_v0, dst_v1, buf0, buf1, agg_sh, sem0, sem1):
    cid = lax.axis_index("c")
    sid = lax.axis_index("s")
    pltpu.sync_copy(zeros_hbm, agg_sh.at[pl.ds(sid * ROWS_PER_TILE, ROWS_PER_TILE)])
    plsc.subcore_barrier()

    tile_base = cid * E_PAD + sid * (N_CHUNKS * CHUNK)
    dst_base = sid * (N_CHUNKS * CHUNK)

    def idx_load(k, srcb, dstb):
        pltpu.sync_copy(src_hbm.at[pl.ds(tile_base + k * CHUNK, CHUNK)], srcb)
        pltpu.sync_copy(dst_hbm.at[pl.ds(dst_base + k * CHUNK, CHUNK)],
                        dstb.at[0])

    idx_load(0, src_v0, dst_v0)

    def body(j, carry):
        k0 = 2 * j
        k1 = 2 * j + 1
        d0 = pltpu.async_copy(xs_hbm.at[src_v0], buf0, sem0)
        idx_load(k1, src_v1, dst_v1)
        d0.wait()
        pltpu.sync_copy(buf0, agg_sh.at[dst_v0.at[0]], add=True)

        d1 = pltpu.async_copy(xs_hbm.at[src_v1], buf1, sem1)

        @pl.when(k0 + 2 < N_CHUNKS)
        def _():
            idx_load(k0 + 2, src_v0, dst_v0)

        d1.wait()
        pltpu.sync_copy(buf1, agg_sh.at[dst_v1.at[0]], add=True)
        return carry

    lax.fori_loop(0, N_CHUNKS // 2, body, 0)

    plsc.subcore_barrier()
    out0 = sid * ROWS_PER_TILE
    pltpu.sync_copy(
        agg_sh.at[pl.ds(out0, ROWS_PER_TILE)],
        out_hbm.at[pl.ds(cid * NPAD + out0, ROWS_PER_TILE)],
    )


ROWB = 400
N_RB = N_NODES // ROWB


def _mm_body(deg_lo, deg_hi, x_ref, w_ref, out_ref):
    d = deg_lo[0, :, 0:1] + deg_hi[0, :, 0:1] + 1.0
    dis = lax.rsqrt(d)
    xw = lax.dot_general(
        x_ref[...], w_ref[...], (((1,), (1,)), ((), ())),
        preferred_element_type=jnp.float32,
    )
    out_ref[...] = xw * dis


def _tc_mm(deg2, x, W):
    return pl.pallas_call(
        _mm_body,
        grid=(N_RB, 2),
        in_specs=[
            pl.BlockSpec((1, ROWB, HALF), lambda i, j: (0, i, 0)),
            pl.BlockSpec((1, ROWB, HALF), lambda i, j: (1, i, 0)),
            pl.BlockSpec((ROWB, CH), lambda i, j: (i, 0)),
            pl.BlockSpec((HALF, CH), lambda i, j: (j, 0)),
        ],
        out_specs=pl.BlockSpec((ROWB, HALF), lambda i, j: (j * N_RB + i, 0)),
        out_shape=jax.ShapeDtypeStruct((2 * N_NODES, HALF), jnp.float32),
    )(deg2, deg2, x, W)


def _out0(deg_lo, deg_hi, agg_lo, agg_hi, xs_lo, xs_hi, b_ref):
    d = deg_lo[0, :, 0:1] + deg_hi[0, :, 0:1] + 1.0
    dis = lax.rsqrt(d)
    agg = jnp.concatenate([agg_lo[0], agg_hi[0]], axis=1)
    xs = jnp.concatenate([xs_lo[...], xs_hi[...]], axis=1)
    return dis * (agg + xs) + b_ref[...]


def _stats_body(deg_lo, deg_hi, agg_lo, agg_hi, xs_lo, xs_hi, b_ref, stats_ref):
    out0 = _out0(deg_lo, deg_hi, agg_lo, agg_hi, xs_lo, xs_hi, b_ref)
    s = jnp.sum(out0, axis=0, keepdims=True)
    q = jnp.sum(out0 * out0, axis=0, keepdims=True)

    @pl.when(pl.program_id(0) == 0)
    def _():
        stats_ref[...] = jnp.zeros_like(stats_ref)

    stats_ref[...] += jnp.concatenate([s, q], axis=0)


def _bn_body(deg_lo, deg_hi, agg_lo, agg_hi, xs_lo, xs_hi, b_ref,
             stats_ref, g_ref, be_ref, out_ref):
    out0 = _out0(deg_lo, deg_hi, agg_lo, agg_hi, xs_lo, xs_hi, b_ref)
    inv_n = 1.0 / N_NODES
    mean = stats_ref[0:1, :] * inv_n
    var = stats_ref[1:2, :] * inv_n - mean * mean
    inv = lax.rsqrt(var + EPS)
    out_ref[...] = jnp.maximum((out0 - mean) * inv * g_ref[...] + be_ref[...], 0.0)


_COMMON_SPECS = [
    pl.BlockSpec((1, ROWB, HALF), lambda i: (0, i, 0)),
    pl.BlockSpec((1, ROWB, HALF), lambda i: (1, i, 0)),
    pl.BlockSpec((1, ROWB, HALF), lambda i: (0, i, 0)),
    pl.BlockSpec((1, ROWB, HALF), lambda i: (1, i, 0)),
    pl.BlockSpec((ROWB, HALF), lambda i: (i, 0)),
    pl.BlockSpec((ROWB, HALF), lambda i: (N_RB + i, 0)),
    pl.BlockSpec((1, CH), lambda i: (0, 0)),
]


def _tc_stats(deg2, agg, xs, b2):
    return pl.pallas_call(
        _stats_body,
        grid=(N_RB,),
        in_specs=list(_COMMON_SPECS),
        out_specs=pl.BlockSpec((2, CH), lambda i: (0, 0)),
        out_shape=jax.ShapeDtypeStruct((2, CH), jnp.float32),
    )(deg2, deg2, agg, agg, xs, xs, b2)


def _tc_bn(deg2, agg, xs, b2, stats, g2, be2):
    return pl.pallas_call(
        _bn_body,
        grid=(N_RB,),
        in_specs=list(_COMMON_SPECS) + [
            pl.BlockSpec((2, CH), lambda i: (0, 0)),
            pl.BlockSpec((1, CH), lambda i: (0, 0)),
            pl.BlockSpec((1, CH), lambda i: (0, 0)),
        ],
        out_specs=pl.BlockSpec((ROWB, CH), lambda i: (i, 0)),
        out_shape=jax.ShapeDtypeStruct((N_NODES, CH), jnp.float32),
    )(deg2, deg2, agg, agg, xs, xs, b2, stats, g2, be2)


def kernel(x, edge_index, W, b, gamma, beta):
    src = edge_index[0].astype(jnp.int32)
    dst = edge_index[1].astype(jnp.int32)
    pad = E_PAD - N_EDGES
    src_p = jnp.concatenate([src, jnp.zeros((pad,), jnp.int32)])
    dst_p = jnp.concatenate([dst, jnp.full((pad,), N_NODES, jnp.int32)])
    src2 = jnp.concatenate([src_p, src_p + N_NODES])

    ones_a = jnp.ones((CHUNK, HALF), jnp.float32)
    zeros_a = jnp.zeros((ROWS_PER_TILE, HALF), jnp.float32)
    zeros_b = jnp.zeros((ROWS_PER_TILE, HALF), jnp.float32)
    b2 = b.reshape(1, CH)
    g2 = gamma.reshape(1, CH)
    be2 = beta.reshape(1, CH)

    deg2 = _sc_deg(dst_p, ones_a, zeros_a).reshape(2, NPAD, HALF)
    xs = _tc_mm(deg2, x, W)
    agg = _sc_agg(xs, src2, dst_p, zeros_b).reshape(2, NPAD, HALF)
    stats = _tc_stats(deg2, agg, xs, b2)
    return _tc_bn(deg2, agg, xs, b2, stats, g2, be2)

# --- scband reference (transcript-rebuilt; emitter-appended) ---
"""Pipeline reference for scband-spectral-gcnlayer-11699490914658 (READ-ONLY COPY).

The authoritative reference and input builder live on the scoring server;
editing this copy changes nothing except your own understanding.
"""

import jax, jax.numpy as jnp
import numpy as np

N_NODES = 10000
N_EDGES = 160000
IN_CH = 256
OUT_CH = 256
EPS = 1e-5


def setup_inputs(seed: int = 0) -> dict:
    key = jax.random.key(seed)
    k1, k2, k3, k4 = jax.random.split(key, 4)
    x = jax.random.normal(k1, (N_NODES, IN_CH), dtype=jnp.float32)
    edge_index = jax.random.randint(k2, (2, N_EDGES), 0, N_NODES, dtype=jnp.int64)
    # GCNConv linear weight (out, in) with glorot-ish scale, bias added after aggregation
    W = jax.random.normal(k3, (OUT_CH, IN_CH), dtype=jnp.float32) * (1.0 / np.sqrt(IN_CH))
    b = jnp.zeros((OUT_CH,), dtype=jnp.float32)
    # BatchNorm1d affine params
    gamma = jnp.ones((OUT_CH,), dtype=jnp.float32)
    beta = jnp.zeros((OUT_CH,), dtype=jnp.float32)
    return {"x": x, "edge_index": edge_index, "W": W, "b": b, "gamma": gamma, "beta": beta}


def reference(x, edge_index, W, b, gamma, beta):
    N = x.shape[0]
    # --- GCNConv: add self-loops, symmetric normalization, linear transform ---
    loop = jnp.arange(N, dtype=edge_index.dtype)
    src = jnp.concatenate([edge_index[0], loop])
    dst = jnp.concatenate([edge_index[1], loop])
    deg = jnp.zeros((N,), dtype=x.dtype).at[dst].add(1.0)
    deg_inv_sqrt = jnp.where(deg > 0, jax.lax.rsqrt(deg), 0.0)
    norm = deg_inv_sqrt[src] * deg_inv_sqrt[dst]
    xw = x @ W.T
    msg = xw[src] * norm[:, None]
    agg = jax.ops.segment_sum(msg, dst, num_segments=N)
    out = agg + b
    # --- BatchNorm1d (training-mode batch statistics) ---
    mean = jnp.mean(out, axis=0)
    var = jnp.var(out, axis=0)
    xn = (out - mean) * jax.lax.rsqrt(var + EPS)
    y = gamma * xn + beta
    # --- ReLU ---
    return jax.nn.relu(y)

if __name__ == "__main__":
    import jax
    _d = setup_inputs()
    print(jax.jit(kernel)(*tuple(_d.values())))

</pallas_src>

<mosaic_0001>
#map = affine_map<(d0, d1) -> (0, 0)>
#map1 = affine_map<(d0, d1) -> (0)>
module attributes {stable_mosaic.version = 14 : i64} {
  func.func @_sc_agg(%arg0: i32, %arg1: i32, %arg2: memref<20000x128xf32, #tpu.memory_space<hbm>>, %arg3: memref<327680xi32, #tpu.memory_space<hbm>>, %arg4: memref<163840xi32, #tpu.memory_space<hbm>>, %arg5: memref<632x128xf32, #tpu.memory_space<hbm>>, %arg6: memref<20224x128xf32, #tpu.memory_space<hbm>>, %arg7: memref<128xi32, #tpu.memory_space<vmem>>, %arg8: memref<128xi32, #tpu.memory_space<vmem>>, %arg9: memref<1x128xi32, #tpu.memory_space<vmem>>, %arg10: memref<1x128xi32, #tpu.memory_space<vmem>>, %arg11: memref<128x128xf32, #tpu.memory_space<vmem>>, %arg12: memref<128x128xf32, #tpu.memory_space<vmem>>, %arg13: memref<10112x128xf32, #tpu.memory_space<vmem_shared>>, %arg14: memref<!tpu.dma_semaphore, #tpu.memory_space<semaphore_mem>>, %arg15: memref<!tpu.dma_semaphore, #tpu.memory_space<semaphore_mem>>) attributes {dimension_semantics = [#tpu.dimension_semantics<core_parallel>, #tpu.dimension_semantics<subcore_parallel>], iteration_bounds = array<i64: 2, 16>, scalar_prefetch = 0 : i64, scratch_operands = 9 : i64, tpu.core_type = #tpu.core_type<sc_vector_subcore>, window_params = [{transform_indices = #map}, {transform_indices = #map1}, {transform_indices = #map1}, {transform_indices = #map}, {transform_indices = #map}]} {
    %mul3A = arith.constant 632 : i32
    %mul3A_0 = arith.muli %arg1, %mul3A : i32
    "tpu.region"() ({
      %run_scoped3A_22 = tpu.sem_alloc : memref<!tpu.dma_semaphore, #tpu.memory_space<semaphore_mem>>
      %dma_start3A = arith.constant 0 : i32
      %dma_start3A_23 = tpu.memref_slice %arg13[%mul3A_0, %dma_start3A] : memref<10112x128xf32, #tpu.memory_space<vmem_shared>> -> memref<632x128xf32, #tpu.memory_space<vmem_shared>>
      tpu.enqueue_dma source(%arg5 : memref<632x128xf32, #tpu.memory_space<hbm>>) target(%dma_start3A_23 : memref<632x128xf32, #tpu.memory_space<vmem_shared>>) target_semaphore(%run_scoped3A_22 : memref<!tpu.dma_semaphore, #tpu.memory_space<semaphore_mem>>)
      %dma_wait3A = arith.constant 0 : i32
      %dma_wait3A_24 = tpu.memref_slice %arg13[%mul3A_0, %dma_wait3A] : memref<10112x128xf32, #tpu.memory_space<vmem_shared>> -> memref<632x128xf32, #tpu.memory_space<vmem_shared>>
      tpu.wait_dma2 semaphore(%run_scoped3A_22 : memref<!tpu.dma_semaphore, #tpu.memory_space<semaphore_mem>>) src(%arg5 : memref<632x128xf32, #tpu.memory_space<hbm>>) dst(%dma_wait3A_24 : memref<632x128xf32, #tpu.memory_space<vmem_shared>>)
      tpu.yield
    }) : () -> ()
    %barrier3A = arith.constant 0 : index
    tpu.barrier barrier_id(%barrier3A)
    %mul3A_1 = arith.constant 163840 : i32
    %mul3A_2 = arith.muli %arg0, %mul3A_1 : i32
    %mul3A_3 = arith.constant 10240 : i32
    %mul3A_4 = arith.muli %arg1, %mul3A_3 : i32
    %add3A = arith.addi %mul3A_2, %mul3A_4 : i32
    %mul3A_5 = arith.constant 10240 : i32
    %mul3A_6 = arith.muli %arg1, %mul3A_5 : i32
    %add3A_7 = arith.constant 0 : i32
    %add3A_8 = arith.addi %add3A, %add3A_7 : i32
    "tpu.region"() ({
      %run_scoped3A_22 = tpu.sem_alloc : memref<!tpu.dma_semaphore, #tpu.memory_space<semaphore_mem>>
      %dma_start3A = tpu.memref_slice %arg3[%add3A_8] : memref<327680xi32, #tpu.memory_space<hbm>> -> memref<128xi32, #tpu.memory_space<hbm>>
      %dma_start3A_23 = tpu.memref_slice %arg3[%add3A_8] : memref<327680xi32, #tpu.memory_space<hbm>> -> memref<128xi32, #tpu.memory_space<hbm>>
      tpu.enqueue_dma source(%dma_start3A_23 : memref<128xi32, #tpu.memory_space<hbm>>) target(%arg7 : memref<128xi32, #tpu.memory_space<vmem>>) target_semaphore(%run_scoped3A_22 : memref<!tpu.dma_semaphore, #tpu.memory_space<semaphore_mem>>)
      %dma_wait3A = tpu.memref_slice %arg3[%add3A_8] : memref<327680xi32, #tpu.memory_space<hbm>> -> memref<128xi32, #tpu.memory_space<hbm>>
      %dma_wait3A_24 = tpu.memref_slice %arg3[%add3A_8] : memref<327680xi32, #tpu.memory_space<hbm>> -> memref<128xi32, #tpu.memory_space<hbm>>
      tpu.wait_dma2 semaphore(%run_scoped3A_22 : memref<!tpu.dma_semaphore, #tpu.memory_space<semaphore_mem>>) src(%dma_wait3A_24 : memref<128xi32, #tpu.memory_space<hbm>>) dst(%arg7 : memref<128xi32, #tpu.memory_space<vmem>>)
      tpu.yield
    }) : () -> ()
    %add3A_9 = arith.constant 0 : i32
    %add3A_10 = arith.addi %mul3A_6, %add3A_9 : i32
    %run_scoped3A = arith.constant 0 : i32
    "tpu.region"() ({
      %run_scoped3A_22 = tpu.sem_alloc : memref<!tpu.dma_semaphore, #tpu.memory_space<semaphore_mem>>
      %dma_start3A = arith.constant 0 : i32
      %dma_start3A_23 = tpu.memref_slice %arg9[%run_scoped3A, %dma_start3A] : memref<1x128xi32, #tpu.memory_space<vmem>> -> memref<1x128xi32, #tpu.memory_space<vmem>>
      %dma_start3A_24 = tpu.memref_squeeze %dma_start3A_23 : memref<1x128xi32, #tpu.memory_space<vmem>> -> memref<128xi32, #tpu.memory_space<vmem>>
      %dma_start3A_25 = tpu.memref_slice %arg4[%add3A_10] : memref<163840xi32, #tpu.memory_space<hbm>> -> memref<128xi32, #tpu.memory_space<hbm>>
      %dma_start3A_26 = arith.constant 0 : i32
      %dma_start3A_27 = tpu.memref_slice %arg9[%run_scoped3A, %dma_start3A_26] : memref<1x128xi32, #tpu.memory_space<vmem>> -> memref<1x128xi32, #tpu.memory_space<vmem>>
      %dma_start3A_28 = tpu.memref_squeeze %dma_start3A_27 : memref<1x128xi32, #tpu.memory_space<vmem>> -> memref<128xi32, #tpu.memory_space<vmem>>
      %dma_start3A_29 = tpu.memref_slice %arg4[%add3A_10] : memref<163840xi32, #tpu.memory_space<hbm>> -> memref<128xi32, #tpu.memory_space<hbm>>
      tpu.enqueue_dma source(%dma_start3A_29 : memref<128xi32, #tpu.memory_space<hbm>>) target(%dma_start3A_28 : memref<128xi32, #tpu.memory_space<vmem>>) target_semaphore(%run_scoped3A_22 : memref<!tpu.dma_semaphore, #tpu.memory_space<semaphore_mem>>)
      %dma_wait3A = arith.constant 0 : i32
      %dma_wait3A_30 = tpu.memref_slice %arg9[%run_scoped3A, %dma_wait3A] : memref<1x128xi32, #tpu.memory_space<vmem>> -> memref<1x128xi32, #tpu.memory_space<vmem>>
      %dma_wait3A_31 = tpu.memref_squeeze %dma_wait3A_30 : memref<1x128xi32, #tpu.memory_space<vmem>> -> memref<128xi32, #tpu.memory_space<vmem>>
      %dma_wait3A_32 = tpu.memref_slice %arg4[%add3A_10] : memref<163840xi32, #tpu.memory_space<hbm>> -> memref<128xi32, #tpu.memory_space<hbm>>
      %dma_wait3A_33 = arith.constant 0 : i32
      %dma_wait3A_34 = tpu.memref_slice %arg9[%run_scoped3A, %dma_wait3A_33] : memref<1x128xi32, #tpu.memory_space<vmem>> -> memref<1x128xi32, #tpu.memory_space<vmem>>
      %dma_wait3A_35 = tpu.memref_squeeze %dma_wait3A_34 : memref<1x128xi32, #tpu.memory_space<vmem>> -> memref<128xi32, #tpu.memory_space<vmem>>
      %dma_wait3A_36 = tpu.memref_slice %arg4[%add3A_10] : memref<163840xi32, #tpu.memory_space<hbm>> -> memref<128xi32, #tpu.memory_space<hbm>>
      tpu.wait_dma2 semaphore(%run_scoped3A_22 : memref<!tpu.dma_semaphore, #tpu.memory_space<semaphore_mem>>) src(%dma_wait3A_36 : memref<128xi32, #tpu.memory_space<hbm>>) dst(%dma_wait3A_35 : memref<128xi32, #tpu.memory_space<vmem>>)
      tpu.yield
    }) : () -> ()
    %scan3A = arith.constant 0 : i32
    %scan3A_11 = arith.constant 0 : i32
    %scan3A_12 = arith.constant 40 : i32
    %scan3A_13 = arith.addi %scan3A_11, %scan3A_12 : i32
    %scan3A_14 = arith.constant 1 : i32
    scf.for %scan3A_22 = %scan3A_11 to %scan3A_13 step %scan3A_14  : i32 {
      %mul3A_23 = arith.constant 2 : i32
      %mul3A_24 = arith.muli %mul3A_23, %scan3A_22 : i32
      %mul3A_25 = arith.constant 2 : i32
      %mul3A_26 = arith.muli %mul3A_25, %scan3A_22 : i32
      %add3A_27 = arith.constant 1 : i32
      %add3A_28 = arith.addi %mul3A_26, %add3A_27 : i32
      %dma_start3A = arith.constant 0 : i32
      %dma_start3A_29 = arith.constant 0 : i32
      %dma_start3A_30 = tpu.memref_slice %arg2[%dma_start3A, %dma_start3A_29] : memref<20000x128xf32, #tpu.memory_space<hbm>> -> memref<20000x128xf32, #tpu.memory_space<hbm>>
      tpu.enqueue_indirect_dma source(%dma_start3A_30 : memref<20000x128xf32, #tpu.memory_space<hbm>>) target(%arg11 : memref<128x128xf32, #tpu.memory_space<vmem>>) offsets(%arg7 : memref<128xi32, #tpu.memory_space<vmem>>) semaphore(%arg14 : memref<!tpu.dma_semaphore, #tpu.memory_space<semaphore_mem>>)
      %mul3A_31 = arith.constant 128 : i32
      %mul3A_32 = arith.muli %add3A_28, %mul3A_31 : i32
      %add3A_33 = arith.addi %add3A, %mul3A_32 : i32
      "tpu.region"() ({
        %run_scoped3A_52 = tpu.sem_alloc : memref<!tpu.dma_semaphore, #tpu.memory_space<semaphore_mem>>
        %dma_start3A_53 = tpu.memref_slice %arg3[%add3A_33] : memref<327680xi32, #tpu.memory_space<hbm>> -> memref<128xi32, #tpu.memory_space<hbm>>
        %dma_start3A_54 = tpu.memref_slice %arg3[%add3A_33] : memref<327680xi32, #tpu.memory_space<hbm>> -> memref<128xi32, #tpu.memory_space<hbm>>
        tpu.enqueue_dma source(%dma_start3A_54 : memref<128xi32, #tpu.memory_space<hbm>>) target(%arg8 : memref<128xi32, #tpu.memory_space<vmem>>) target_semaphore(%run_scoped3A_52 : memref<!tpu.dma_semaphore, #tpu.memory_space<semaphore_mem>>)
        %dma_wait3A_55 = tpu.memref_slice %arg3[%add3A_33] : memref<327680xi32, #tpu.memory_space<hbm>> -> memref<128xi32, #tpu.memory_space<hbm>>
        %dma_wait3A_56 = tpu.memref_slice %arg3[%add3A_33] : memref<327680xi32, #tpu.memory_space<hbm>> -> memref<128xi32, #tpu.memory_space<hbm>>
        tpu.wait_dma2 semaphore(%run_scoped3A_52 : memref<!tpu.dma_semaphore, #tpu.memory_space<semaphore_mem>>) src(%dma_wait3A_56 : memref<128xi32, #tpu.memory_space<hbm>>) dst(%arg8 : memref<128xi32, #tpu.memory_space<vmem>>)
        tpu.yield
      }) : () -> ()
      %mul3A_34 = arith.constant 128 : i32
      %mul3A_35 = arith.muli %add3A_28, %mul3A_34 : i32
      %add3A_36 = arith.addi %mul3A_6, %mul3A_35 : i32
      %run_scoped3A_37 = arith.constant 0 : i32
      "tpu.region"() ({
        %run_scoped3A_52 = tpu.sem_alloc : memref<!tpu.dma_semaphore, #tpu.memory_space<semaphore_mem>>
        %dma_start3A_53 = arith.constant 0 : i32
        %dma_start3A_54 = tpu.memref_slice %arg10[%run_scoped3A_37, %dma_start3A_53] : memref<1x128xi32, #tpu.memory_space<vmem>> -> memref<1x128xi32, #tpu.memory_space<vmem>>
        %dma_start3A_55 = tpu.memref_squeeze %dma_start3A_54 : memref<1x128xi32, #tpu.memory_space<vmem>> -> memref<128xi32, #tpu.memory_space<vmem>>
        %dma_start3A_56 = tpu.memref_slice %arg4[%add3A_36] : memref<163840xi32, #tpu.memory_space<hbm>> -> memref<128xi32, #tpu.memory_space<hbm>>
        %dma_start3A_57 = arith.constant 0 : i32
        %dma_start3A_58 = tpu.memref_slice %arg10[%run_scoped3A_37, %dma_start3A_57] : memref<1x128xi32, #tpu.memory_space<vmem>> -> memref<1x128xi32, #tpu.memory_space<vmem>>
        %dma_start3A_59 = tpu.memref_squeeze %dma_start3A_58 : memref<1x128xi32, #tpu.memory_space<vmem>> -> memref<128xi32, #tpu.memory_space<vmem>>
        %dma_start3A_60 = tpu.memref_slice %arg4[%add3A_36] : memref<163840xi32, #tpu.memory_space<hbm>> -> memref<128xi32, #tpu.memory_space<hbm>>
        tpu.enqueue_dma source(%dma_start3A_60 : memref<128xi32, #tpu.memory_space<hbm>>) target(%dma_start3A_59 : memref<128xi32, #tpu.memory_space<vmem>>) target_semaphore(%run_scoped3A_52 : memref<!tpu.dma_semaphore, #tpu.memory_space<semaphore_mem>>)
        %dma_wait3A_61 = arith.constant 0 : i32
        %dma_wait3A_62 = tpu.memref_slice %arg10[%run_scoped3A_37, %dma_wait3A_61] : memref<1x128xi32, #tpu.memory_space<vmem>> -> memref<1x128xi32, #tpu.memory_space<vmem>>
        %dma_wait3A_63 = tpu.memref_squeeze %dma_wait3A_62 : memref<1x128xi32, #tpu.memory_space<vmem>> -> memref<128xi32, #tpu.memory_space<vmem>>
        %dma_wait3A_64 = tpu.memref_slice %arg4[%add3A_36] : memref<163840xi32, #tpu.memory_space<hbm>> -> memref<128xi32, #tpu.memory_space<hbm>>
        %dma_wait3A_65 = arith.constant 0 : i32
        %dma_wait3A_66 = tpu.memref_slice %arg10[%run_scoped3A_37, %dma_wait3A_65] : memref<1x128xi32, #tpu.memory_space<vmem>> -> memref<1x128xi32, #tpu.memory_space<vmem>>
        %dma_wait3A_67 = tpu.memref_squeeze %dma_wait3A_66 : memref<1x128xi32, #tpu.memory_space<vmem>> -> memref<128xi32, #tpu.memory_space<vmem>>
        %dma_wait3A_68 = tpu.memref_slice %arg4[%add3A_36] : memref<163840xi32, #tpu.memory_space<hbm>> -> memref<128xi32, #tpu.memory_space<hbm>>
        tpu.wait_dma2 semaphore(%run_scoped3A_52 : memref<!tpu.dma_semaphore, #tpu.memory_space<semaphore_mem>>) src(%dma_wait3A_68 : memref<128xi32, #tpu.memory_space<hbm>>) dst(%dma_wait3A_67 : memref<128xi32, #tpu.memory_space<vmem>>)
        tpu.yield
      }) : () -> ()
      %dma_wait3A = arith.constant 0 : i32
      %dma_wait3A_38 = arith.constant 0 : i32
      %dma_wait3A_39 = tpu.memref_slice %arg2[%dma_wait3A, %dma_wait3A_38] : memref<20000x128xf32, #tpu.memory_space<hbm>> -> memref<20000x128xf32, #tpu.memory_space<hbm>>
      tpu.wait_indirect_dma semaphore(%arg14 : memref<!tpu.dma_semaphore, #tpu.memory_space<semaphore_mem>>) src(%dma_wait3A_39 : memref<20000x128xf32, #tpu.memory_space<hbm>>) dst(%arg11 : memref<128x128xf32, #tpu.memory_space<vmem>>)
      %run_scoped3A_40 = arith.constant 0 : i32
      "tpu.region"() ({
        %run_scoped3A_52 = tpu.sem_alloc : memref<!tpu.dma_semaphore, #tpu.memory_space<semaphore_mem>>
        %dma_start3A_53 = arith.constant 0 : i32
        %dma_start3A_54 = tpu.memref_slice %arg9[%run_scoped3A_40, %dma_start3A_53] : memref<1x128xi32, #tpu.memory_space<vmem>> -> memref<1x128xi32, #tpu.memory_space<vmem>>
        %dma_start3A_55 = tpu.memref_squeeze %dma_start3A_54 : memref<1x128xi32, #tpu.memory_space<vmem>> -> memref<128xi32, #tpu.memory_space<vmem>>
        %dma_start3A_56 = arith.constant 0 : i32
        %dma_start3A_57 = arith.constant 0 : i32
        %dma_start3A_58 = tpu.memref_slice %arg13[%dma_start3A_56, %dma_start3A_57] : memref<10112x128xf32, #tpu.memory_space<vmem_shared>> -> memref<10112x128xf32, #tpu.memory_space<vmem_shared>>
        tpu.enqueue_indirect_dma source(%arg11 : memref<128x128xf32, #tpu.memory_space<vmem>>) target(%dma_start3A_58 : memref<10112x128xf32, #tpu.memory_space<vmem_shared>>) offsets(%dma_start3A_55 : memref<128xi32, #tpu.memory_space<vmem>>) semaphore(%run_scoped3A_52 : memref<!tpu.dma_semaphore, #tpu.memory_space<semaphore_mem>>) {add = true}
        %dma_wait3A_59 = arith.constant 0 : i32
        %dma_wait3A_60 = tpu.memref_slice %arg9[%run_scoped3A_40, %dma_wait3A_59] : memref<1x128xi32, #tpu.memory_space<vmem>> -> memref<1x128xi32, #tpu.memory_space<vmem>>
        %dma_wait3A_61 = tpu.memref_squeeze %dma_wait3A_60 : memref<1x128xi32, #tpu.memory_space<vmem>> -> memref<128xi32, #tpu.memory_space<vmem>>
        %dma_wait3A_62 = arith.constant 0 : i32
        %dma_wait3A_63 = arith.constant 0 : i32
        %dma_wait3A_64 = tpu.memref_slice %arg13[%dma_wait3A_62, %dma_wait3A_63] : memref<10112x128xf32, #tpu.memory_space<vmem_shared>> -> memref<10112x128xf32, #tpu.memory_space<vmem_shared>>
        tpu.wait_indirect_dma semaphore(%run_scoped3A_52 : memref<!tpu.dma_semaphore, #tpu.memory_space<semaphore_mem>>) src(%arg11 : memref<128x128xf32, #tpu.memory_space<vmem>>) dst(%dma_wait3A_64 : memref<10112x128xf32, #tpu.memory_space<vmem_shared>>)
        tpu.yield
      }) : () -> ()
      %dma_start3A_41 = arith.constant 0 : i32
      %dma_start3A_42 = arith.constant 0 : i32
      %dma_start3A_43 = tpu.memref_slice %arg2[%dma_start3A_41, %dma_start3A_42] : memref<20000x128xf32, #tpu.memory_space<hbm>> -> memref<20000x128xf32, #tpu.memory_space<hbm>>
      tpu.enqueue_indirect_dma source(%dma_start3A_43 : memref<20000x128xf32, #tpu.memory_space<hbm>>) target(%arg12 : memref<128x128xf32, #tpu.memory_space<vmem>>) offsets(%arg8 : memref<128xi32, #tpu.memory_space<vmem>>) semaphore(%arg15 : memref<!tpu.dma_semaphore, #tpu.memory_space<semaphore_mem>>)
      %add3A_44 = arith.constant 2 : i32
      %add3A_45 = arith.addi %mul3A_24, %add3A_44 : i32
      %lt3A = arith.constant 80 : i32
      %lt3A_46 = arith.cmpi slt, %add3A_45, %lt3A : i32
      %convert_element_type3A = arith.extui %lt3A_46 : i1 to i32
      %cond3A = arith.constant 0 : i32
      %cond3A_47 = arith.cmpi ne, %convert_element_type3A, %cond3A : i32
      scf.if %cond3A_47 {
        %add3A_52 = arith.constant 2 : i32
        %add3A_53 = arith.addi %mul3A_24, %add3A_52 : i32
        %mul3A_54 = arith.constant 128 : i32
        %mul3A_55 = arith.muli %add3A_53, %mul3A_54 : i32
        %add3A_56 = arith.addi %add3A, %mul3A_55 : i32
        "tpu.region"() ({
          %run_scoped3A_61 = tpu.sem_alloc : memref<!tpu.dma_semaphore, #tpu.memory_space<semaphore_mem>>
          %dma_start3A_62 = tpu.memref_slice %arg3[%add3A_56] : memref<327680xi32, #tpu.memory_space<hbm>> -> memref<128xi32, #tpu.memory_space<hbm>>
          %dma_start3A_63 = tpu.memref_slice %arg3[%add3A_56] : memref<327680xi32, #tpu.memory_space<hbm>> -> memref<128xi32, #tpu.memory_space<hbm>>
          tpu.enqueue_dma source(%dma_start3A_63 : memref<128xi32, #tpu.memory_space<hbm>>) target(%arg7 : memref<128xi32, #tpu.memory_space<vmem>>) target_semaphore(%run_scoped3A_61 : memref<!tpu.dma_semaphore, #tpu.memory_space<semaphore_mem>>)
          %dma_wait3A_64 = tpu.memref_slice %arg3[%add3A_56] : memref<327680xi32, #tpu.memory_space<hbm>> -> memref<128xi32, #tpu.memory_space<hbm>>
          %dma_wait3A_65 = tpu.memref_slice %arg3[%add3A_56] : memref<327680xi32, #tpu.memory_space<hbm>> -> memref<128xi32, #tpu.memory_space<hbm>>
          tpu.wait_dma2 semaphore(%run_scoped3A_61 : memref<!tpu.dma_semaphore, #tpu.memory_space<semaphore_mem>>) src(%dma_wait3A_65 : memref<128xi32, #tpu.memory_space<hbm>>) dst(%arg7 : memref<128xi32, #tpu.memory_space<vmem>>)
          tpu.yield
        }) : () -> ()
        %mul3A_57 = arith.constant 128 : i32
        %mul3A_58 = arith.muli %add3A_53, %mul3A_57 : i32
        %add3A_59 = arith.addi %mul3A_6, %mul3A_58 : i32
        %run_scoped3A_60 = arith.constant 0 : i32
        "tpu.region"() ({
          %run_scoped3A_61 = tpu.sem_alloc : memref<!tpu.dma_semaphore, #tpu.memory_space<semaphore_mem>>
          %dma_start3A_62 = arith.constant 0 : i32
          %dma_start3A_63 = tpu.memref_slice %arg9[%run_scoped3A_60, %dma_start3A_62] : memref<1x128xi32, #tpu.memory_space<vmem>> -> memref<1x128xi32, #tpu.memory_space<vmem>>
          %dma_start3A_64 = tpu.memref_squeeze %dma_start3A_63 : memref<1x128xi32, #tpu.memory_space<vmem>> -> memref<128xi32, #tpu.memory_space<vmem>>
          %dma_start3A_65 = tpu.memref_slice %arg4[%add3A_59] : memref<163840xi32, #tpu.memory_space<hbm>> -> memref<128xi32, #tpu.memory_space<hbm>>
          %dma_start3A_66 = arith.constant 0 : i32
          %dma_start3A_67 = tpu.memref_slice %arg9[%run_scoped3A_60, %dma_start3A_66] : memref<1x128xi32, #tpu.memory_space<vmem>> -> memref<1x128xi32, #tpu.memory_space<vmem>>
          %dma_start3A_68 = tpu.memref_squeeze %dma_start3A_67 : memref<1x128xi32, #tpu.memory_space<vmem>> -> memref<128xi32, #tpu.memory_space<vmem>>
          %dma_start3A_69 = tpu.memref_slice %arg4[%add3A_59] : memref<163840xi32, #tpu.memory_space<hbm>> -> memref<128xi32, #tpu.memory_space<hbm>>
          tpu.enqueue_dma source(%dma_start3A_69 : memref<128xi32, #tpu.memory_space<hbm>>) target(%dma_start3A_68 : memref<128xi32, #tpu.memory_space<vmem>>) target_semaphore(%run_scoped3A_61 : memref<!tpu.dma_semaphore, #tpu.memory_space<semaphore_mem>>)
          %dma_wait3A_70 = arith.constant 0 : i32
          %dma_wait3A_71 = tpu.memref_slice %arg9[%run_scoped3A_60, %dma_wait3A_70] : memref<1x128xi32, #tpu.memory_space<vmem>> -> memref<1x128xi32, #tpu.memory_space<vmem>>
          %dma_wait3A_72 = tpu.memref_squeeze %dma_wait3A_71 : memref<1x128xi32, #tpu.memory_space<vmem>> -> memref<128xi32, #tpu.memory_space<vmem>>
          %dma_wait3A_73 = tpu.memref_slice %arg4[%add3A_59] : memref<163840xi32, #tpu.memory_space<hbm>> -> memref<128xi32, #tpu.memory_space<hbm>>
          %dma_wait3A_74 = arith.constant 0 : i32
          %dma_wait3A_75 = tpu.memref_slice %arg9[%run_scoped3A_60, %dma_wait3A_74] : memref<1x128xi32, #tpu.memory_space<vmem>> -> memref<1x128xi32, #tpu.memory_space<vmem>>
          %dma_wait3A_76 = tpu.memref_squeeze %dma_wait3A_75 : memref<1x128xi32, #tpu.memory_space<vmem>> -> memref<128xi32, #tpu.memory_space<vmem>>
          %dma_wait3A_77 = tpu.memref_slice %arg4[%add3A_59] : memref<163840xi32, #tpu.memory_space<hbm>> -> memref<128xi32, #tpu.memory_space<hbm>>
          tpu.wait_dma2 semaphore(%run_scoped3A_61 : memref<!tpu.dma_semaphore, #tpu.memory_space<semaphore_mem>>) src(%dma_wait3A_77 : memref<128xi32, #tpu.memory_space<hbm>>) dst(%dma_wait3A_76 : memref<128xi32, #tpu.memory_space<vmem>>)
          tpu.yield
        }) : () -> ()
      } else {
      }
      %dma_wait3A_48 = arith.constant 0 : i32
      %dma_wait3A_49 = arith.constant 0 : i32
      %dma_wait3A_50 = tpu.memref_slice %arg2[%dma_wait3A_48, %dma_wait3A_49] : memref<20000x128xf32, #tpu.memory_space<hbm>> -> memref<20000x128xf32, #tpu.memory_space<hbm>>
      tpu.wait_indirect_dma semaphore(%arg15 : memref<!tpu.dma_semaphore, #tpu.memory_space<semaphore_mem>>) src(%dma_wait3A_50 : memref<20000x128xf32, #tpu.memory_space<hbm>>) dst(%arg12 : memref<128x128xf32, #tpu.memory_space<vmem>>)
      %run_scoped3A_51 = arith.constant 0 : i32
      "tpu.region"() ({
        %run_scoped3A_52 = tpu.sem_alloc : memref<!tpu.dma_semaphore, #tpu.memory_space<semaphore_mem>>
        %dma_start3A_53 = arith.constant 0 : i32
        %dma_start3A_54 = tpu.memref_slice %arg10[%run_scoped3A_51, %dma_start3A_53] : memref<1x128xi32, #tpu.memory_space<vmem>> -> memref<1x128xi32, #tpu.memory_space<vmem>>
        %dma_start3A_55 = tpu.memref_squeeze %dma_start3A_54 : memref<1x128xi32, #tpu.memory_space<vmem>> -> memref<128xi32, #tpu.memory_space<vmem>>
        %dma_start3A_56 = arith.constant 0 : i32
        %dma_start3A_57 = arith.constant 0 : i32
        %dma_start3A_58 = tpu.memref_slice %arg13[%dma_start3A_56, %dma_start3A_57] : memref<10112x128xf32, #tpu.memory_space<vmem_shared>> -> memref<10112x128xf32, #tpu.memory_space<vmem_shared>>
        tpu.enqueue_indirect_dma source(%arg12 : memref<128x128xf32, #tpu.memory_space<vmem>>) target(%dma_start3A_58 : memref<10112x128xf32, #tpu.memory_space<vmem_shared>>) offsets(%dma_start3A_55 : memref<128xi32, #tpu.memory_space<vmem>>) semaphore(%run_scoped3A_52 : memref<!tpu.dma_semaphore, #tpu.memory_space<semaphore_mem>>) {add = true}
        %dma_wait3A_59 = arith.constant 0 : i32
        %dma_wait3A_60 = tpu.memref_slice %arg10[%run_scoped3A_51, %dma_wait3A_59] : memref<1x128xi32, #tpu.memory_space<vmem>> -> memref<1x128xi32, #tpu.memory_space<vmem>>
        %dma_wait3A_61 = tpu.memref_squeeze %dma_wait3A_60 : memref<1x128xi32, #tpu.memory_space<vmem>> -> memref<128xi32, #tpu.memory_space<vmem>>
        %dma_wait3A_62 = arith.constant 0 : i32
        %dma_wait3A_63 = arith.constant 0 : i32
        %dma_wait3A_64 = tpu.memref_slice %arg13[%dma_wait3A_62, %dma_wait3A_63] : memref<10112x128xf32, #tpu.memory_space<vmem_shared>> -> memref<10112x128xf32, #tpu.memory_space<vmem_shared>>
        tpu.wait_indirect_dma semaphore(%run_scoped3A_52 : memref<!tpu.dma_semaphore, #tpu.memory_space<semaphore_mem>>) src(%arg12 : memref<128x128xf32, #tpu.memory_space<vmem>>) dst(%dma_wait3A_64 : memref<10112x128xf32, #tpu.memory_space<vmem_shared>>)
        tpu.yield
      }) : () -> ()
    }
    %scan3A_15 = arith.constant 40 : i32
    %barrier3A_16 = arith.constant 0 : index
    tpu.barrier barrier_id(%barrier3A_16)
    %mul3A_17 = arith.constant 632 : i32
    %mul3A_18 = arith.muli %arg1, %mul3A_17 : i32
    %mul3A_19 = arith.constant 10112 : i32
    %mul3A_20 = arith.muli %arg0, %mul3A_19 : i32
    %add3A_21 = arith.addi %mul3A_20, %mul3A_18 : i32
    "tpu.region"() ({
      %run_scoped3A_22 = tpu.sem_alloc : memref<!tpu.dma_semaphore, #tpu.memory_space<semaphore_mem>>
      %dma_start3A = arith.constant 0 : i32
      %dma_start3A_23 = tpu.memref_slice %arg6[%add3A_21, %dma_start3A] : memref<20224x128xf32, #tpu.memory_space<hbm>> -> memref<632x128xf32, #tpu.memory_space<hbm>>
      %dma_start3A_24 = arith.constant 0 : i32
      %dma_start3A_25 = tpu.memref_slice %arg13[%mul3A_18, %dma_start3A_24] : memref<10112x128xf32, #tpu.memory_space<vmem_shared>> -> memref<632x128xf32, #tpu.memory_space<vmem_shared>>
      tpu.enqueue_dma source(%dma_start3A_25 : memref<632x128xf32, #tpu.memory_space<vmem_shared>>) target(%dma_start3A_23 : memref<632x128xf32, #tpu.memory_space<hbm>>) target_semaphore(%run_scoped3A_22 : memref<!tpu.dma_semaphore, #tpu.memory_space<semaphore_mem>>)
      %dma_wait3A = arith.constant 0 : i32
      %dma_wait3A_26 = tpu.memref_slice %arg6[%add3A_21, %dma_wait3A] : memref<20224x128xf32, #tpu.memory_space<hbm>> -> memref<632x128xf32, #tpu.memory_space<hbm>>
      %dma_wait3A_27 = arith.constant 0 : i32
      %dma_wait3A_28 = tpu.memref_slice %arg13[%mul3A_18, %dma_wait3A_27] : memref<10112x128xf32, #tpu.memory_space<vmem_shared>> -> memref<632x128xf32, #tpu.memory_space<vmem_shared>>
      tpu.wait_dma2 semaphore(%run_scoped3A_22 : memref<!tpu.dma_semaphore, #tpu.memory_space<semaphore_mem>>) src(%dma_wait3A_28 : memref<632x128xf32, #tpu.memory_space<vmem_shared>>) dst(%dma_wait3A_26 : memref<632x128xf32, #tpu.memory_space<hbm>>)
      tpu.yield
    }) : () -> ()
    return
  }
}

#map = affine_map<(d0, d1) -> (0)>
#map1 = affine_map<(d0, d1) -> (0, 0)>
module attributes {stable_mosaic.version = 14 : i64} {
  func.func @_sc_deg(%arg0: i32, %arg1: i32, %arg2: memref<163840xi32, #tpu.memory_space<hbm>>, %arg3: memref<128x128xf32, #tpu.memory_space<hbm>>, %arg4: memref<632x128xf32, #tpu.memory_space<hbm>>, %arg5: memref<20224x128xf32, #tpu.memory_space<hbm>>, %arg6: memref<1x128xi32, #tpu.memory_space<vmem>>, %arg7: memref<128x128xf32, #tpu.memory_space<vmem>>, %arg8: memref<10112x128xf32, #tpu.memory_space<vmem_shared>>) attributes {dimension_semantics = [#tpu.dimension_semantics<core_parallel>, #tpu.dimension_semantics<subcore_parallel>], iteration_bounds = array<i64: 2, 16>, scalar_prefetch = 0 : i64, scratch_operands = 3 : i64, tpu.core_type = #tpu.core_type<sc_vector_subcore>, window_params = [{transform_indices = #map}, {transform_indices = #map1}, {transform_indices = #map1}, {transform_indices = #map1}]} {
    %mul3A = arith.constant 632 : i32
    %mul3A_0 = arith.muli %arg1, %mul3A : i32
    "tpu.region"() ({
      %run_scoped3A = tpu.sem_alloc : memref<!tpu.dma_semaphore, #tpu.memory_space<semaphore_mem>>
      %dma_start3A = arith.constant 0 : i32
      %dma_start3A_16 = tpu.memref_slice %arg8[%mul3A_0, %dma_start3A] : memref<10112x128xf32, #tpu.memory_space<vmem_shared>> -> memref<632x128xf32, #tpu.memory_space<vmem_shared>>
      tpu.enqueue_dma source(%arg4 : memref<632x128xf32, #tpu.memory_space<hbm>>) target(%dma_start3A_16 : memref<632x128xf32, #tpu.memory_space<vmem_shared>>) target_semaphore(%run_scoped3A : memref<!tpu.dma_semaphore, #tpu.memory_space<semaphore_mem>>)
      %dma_wait3A = arith.constant 0 : i32
      %dma_wait3A_17 = tpu.memref_slice %arg8[%mul3A_0, %dma_wait3A] : memref<10112x128xf32, #tpu.memory_space<vmem_shared>> -> memref<632x128xf32, #tpu.memory_space<vmem_shared>>
      tpu.wait_dma2 semaphore(%run_scoped3A : memref<!tpu.dma_semaphore, #tpu.memory_space<semaphore_mem>>) src(%arg4 : memref<632x128xf32, #tpu.memory_space<hbm>>) dst(%dma_wait3A_17 : memref<632x128xf32, #tpu.memory_space<vmem_shared>>)
      tpu.yield
    }) : () -> ()
    "tpu.region"() ({
      %run_scoped3A = tpu.sem_alloc : memref<!tpu.dma_semaphore, #tpu.memory_space<semaphore_mem>>
      tpu.enqueue_dma source(%arg3 : memref<128x128xf32, #tpu.memory_space<hbm>>) target(%arg7 : memref<128x128xf32, #tpu.memory_space<vmem>>) target_semaphore(%run_scoped3A : memref<!tpu.dma_semaphore, #tpu.memory_space<semaphore_mem>>)
      tpu.wait_dma2 semaphore(%run_scoped3A : memref<!tpu.dma_semaphore, #tpu.memory_space<semaphore_mem>>) src(%arg3 : memref<128x128xf32, #tpu.memory_space<hbm>>) dst(%arg7 : memref<128x128xf32, #tpu.memory_space<vmem>>)
      tpu.yield
    }) : () -> ()
    %barrier3A = arith.constant 0 : index
    tpu.barrier barrier_id(%barrier3A)
    %mul3A_1 = arith.constant 16 : i32
    %mul3A_2 = arith.muli %arg0, %mul3A_1 : i32
    %add3A = arith.addi %mul3A_2, %arg1 : i32
    %mul3A_3 = arith.constant 5120 : i32
    %mul3A_4 = arith.muli %add3A, %mul3A_3 : i32
    %scan3A = arith.constant 0 : i32
    %scan3A_5 = arith.constant 0 : i32
    %scan3A_6 = arith.constant 40 : i32
    %scan3A_7 = arith.addi %scan3A_5, %scan3A_6 : i32
    %scan3A_8 = arith.constant 1 : i32
    scf.for %scan3A_16 = %scan3A_5 to %scan3A_7 step %scan3A_8  : i32 {
      %mul3A_17 = arith.constant 128 : i32
      %mul3A_18 = arith.muli %scan3A_16, %mul3A_17 : i32
      %add3A_19 = arith.addi %mul3A_4, %mul3A_18 : i32
      %run_scoped3A = arith.constant 0 : i32
      "tpu.region"() ({
        %run_scoped3A_21 = tpu.sem_alloc : memref<!tpu.dma_semaphore, #tpu.memory_space<semaphore_mem>>
        %dma_start3A = arith.constant 0 : i32
        %dma_start3A_22 = tpu.memref_slice %arg6[%run_scoped3A, %dma_start3A] : memref<1x128xi32, #tpu.memory_space<vmem>> -> memref<1x128xi32, #tpu.memory_space<vmem>>
        %dma_start3A_23 = tpu.memref_squeeze %dma_start3A_22 : memref<1x128xi32, #tpu.memory_space<vmem>> -> memref<128xi32, #tpu.memory_space<vmem>>
        %dma_start3A_24 = tpu.memref_slice %arg2[%add3A_19] : memref<163840xi32, #tpu.memory_space<hbm>> -> memref<128xi32, #tpu.memory_space<hbm>>
        %dma_start3A_25 = arith.constant 0 : i32
        %dma_start3A_26 = tpu.memref_slice %arg6[%run_scoped3A, %dma_start3A_25] : memref<1x128xi32, #tpu.memory_space<vmem>> -> memref<1x128xi32, #tpu.memory_space<vmem>>
        %dma_start3A_27 = tpu.memref_squeeze %dma_start3A_26 : memref<1x128xi32, #tpu.memory_space<vmem>> -> memref<128xi32, #tpu.memory_space<vmem>>
        %dma_start3A_28 = tpu.memref_slice %arg2[%add3A_19] : memref<163840xi32, #tpu.memory_space<hbm>> -> memref<128xi32, #tpu.memory_space<hbm>>
        tpu.enqueue_dma source(%dma_start3A_28 : memref<128xi32, #tpu.memory_space<hbm>>) target(%dma_start3A_27 : memref<128xi32, #tpu.memory_space<vmem>>) target_semaphore(%run_scoped3A_21 : memref<!tpu.dma_semaphore, #tpu.memory_space<semaphore_mem>>)
        %dma_wait3A = arith.constant 0 : i32
        %dma_wait3A_29 = tpu.memref_slice %arg6[%run_scoped3A, %dma_wait3A] : memref<1x128xi32, #tpu.memory_space<vmem>> -> memref<1x128xi32, #tpu.memory_space<vmem>>
        %dma_wait3A_30 = tpu.memref_squeeze %dma_wait3A_29 : memref<1x128xi32, #tpu.memory_space<vmem>> -> memref<128xi32, #tpu.memory_space<vmem>>
        %dma_wait3A_31 = tpu.memref_slice %arg2[%add3A_19] : memref<163840xi32, #tpu.memory_space<hbm>> -> memref<128xi32, #tpu.memory_space<hbm>>
        %dma_wait3A_32 = arith.constant 0 : i32
        %dma_wait3A_33 = tpu.memref_slice %arg6[%run_scoped3A, %dma_wait3A_32] : memref<1x128xi32, #tpu.memory_space<vmem>> -> memref<1x128xi32, #tpu.memory_space<vmem>>
        %dma_wait3A_34 = tpu.memref_squeeze %dma_wait3A_33 : memref<1x128xi32, #tpu.memory_space<vmem>> -> memref<128xi32, #tpu.memory_space<vmem>>
        %dma_wait3A_35 = tpu.memref_slice %arg2[%add3A_19] : memref<163840xi32, #tpu.memory_space<hbm>> -> memref<128xi32, #tpu.memory_space<hbm>>
        tpu.wait_dma2 semaphore(%run_scoped3A_21 : memref<!tpu.dma_semaphore, #tpu.memory_space<semaphore_mem>>) src(%dma_wait3A_35 : memref<128xi32, #tpu.memory_space<hbm>>) dst(%dma_wait3A_34 : memref<128xi32, #tpu.memory_space<vmem>>)
        tpu.yield
      }) : () -> ()
      %run_scoped3A_20 = arith.constant 0 : i32
      "tpu.region"() ({
        %run_scoped3A_21 = tpu.sem_alloc : memref<!tpu.dma_semaphore, #tpu.memory_space<semaphore_mem>>
        %dma_start3A = arith.constant 0 : i32
        %dma_start3A_22 = tpu.memref_slice %arg6[%run_scoped3A_20, %dma_start3A] : memref<1x128xi32, #tpu.memory_space<vmem>> -> memref<1x128xi32, #tpu.memory_space<vmem>>
        %dma_start3A_23 = tpu.memref_squeeze %dma_start3A_22 : memref<1x128xi32, #tpu.memory_space<vmem>> -> memref<128xi32, #tpu.memory_space<vmem>>
        %dma_start3A_24 = arith.constant 0 : i32
        %dma_start3A_25 = arith.constant 0 : i32
        %dma_start3A_26 = tpu.memref_slice %arg8[%dma_start3A_24, %dma_start3A_25] : memref<10112x128xf32, #tpu.memory_space<vmem_shared>> -> memref<10112x128xf32, #tpu.memory_space<vmem_shared>>
        tpu.enqueue_indirect_dma source(%arg7 : memref<128x128xf32, #tpu.memory_space<vmem>>) target(%dma_start3A_26 : memref<10112x128xf32, #tpu.memory_space<vmem_shared>>) offsets(%dma_start3A_23 : memref<128xi32, #tpu.memory_space<vmem>>) semaphore(%run_scoped3A_21 : memref<!tpu.dma_semaphore, #tpu.memory_space<semaphore_mem>>) {add = true}
        %dma_wait3A = arith.constant 0 : i32
        %dma_wait3A_27 = tpu.memref_slice %arg6[%run_scoped3A_20, %dma_wait3A] : memref<1x128xi32, #tpu.memory_space<vmem>> -> memref<1x128xi32, #tpu.memory_space<vmem>>
        %dma_wait3A_28 = tpu.memref_squeeze %dma_wait3A_27 : memref<1x128xi32, #tpu.memory_space<vmem>> -> memref<128xi32, #tpu.memory_space<vmem>>
        %dma_wait3A_29 = arith.constant 0 : i32
        %dma_wait3A_30 = arith.constant 0 : i32
        %dma_wait3A_31 = tpu.memref_slice %arg8[%dma_wait3A_29, %dma_wait3A_30] : memref<10112x128xf32, #tpu.memory_space<vmem_shared>> -> memref<10112x128xf32, #tpu.memory_space<vmem_shared>>
        tpu.wait_indirect_dma semaphore(%run_scoped3A_21 : memref<!tpu.dma_semaphore, #tpu.memory_space<semaphore_mem>>) src(%arg7 : memref<128x128xf32, #tpu.memory_space<vmem>>) dst(%dma_wait3A_31 : memref<10112x128xf32, #tpu.memory_space<vmem_shared>>)
        tpu.yield
      }) : () -> ()
    }
    %scan3A_9 = arith.constant 40 : i32
    %barrier3A_10 = arith.constant 0 : index
    tpu.barrier barrier_id(%barrier3A_10)
    %mul3A_11 = arith.constant 632 : i32
    %mul3A_12 = arith.muli %arg1, %mul3A_11 : i32
    %mul3A_13 = arith.constant 10112 : i32
    %mul3A_14 = arith.muli %arg0, %mul3A_13 : i32
    %add3A_15 = arith.addi %mul3A_14, %mul3A_12 : i32
    "tpu.region"() ({
      %run_scoped3A = tpu.sem_alloc : memref<!tpu.dma_semaphore, #tpu.memory_space<semaphore_mem>>
      %dma_start3A = arith.constant 0 : i32
      %dma_start3A_16 = tpu.memref_slice %arg5[%add3A_15, %dma_start3A] : memref<20224x128xf32, #tpu.memory_space<hbm>> -> memref<632x128xf32, #tpu.memory_space<hbm>>
      %dma_start3A_17 = arith.constant 0 : i32
      %dma_start3A_18 = tpu.memref_slice %arg8[%mul3A_12, %dma_start3A_17] : memref<10112x128xf32, #tpu.memory_space<vmem_shared>> -> memref<632x128xf32, #tpu.memory_space<vmem_shared>>
      tpu.enqueue_dma source(%dma_start3A_18 : memref<632x128xf32, #tpu.memory_space<vmem_shared>>) target(%dma_start3A_16 : memref<632x128xf32, #tpu.memory_space<hbm>>) target_semaphore(%run_scoped3A : memref<!tpu.dma_semaphore, #tpu.memory_space<semaphore_mem>>)
      %dma_wait3A = arith.constant 0 : i32
      %dma_wait3A_19 = tpu.memref_slice %arg5[%add3A_15, %dma_wait3A] : memref<20224x128xf32, #tpu.memory_space<hbm>> -> memref<632x128xf32, #tpu.memory_space<hbm>>
      %dma_wait3A_20 = arith.constant 0 : i32
      %dma_wait3A_21 = tpu.memref_slice %arg8[%mul3A_12, %dma_wait3A_20] : memref<10112x128xf32, #tpu.memory_space<vmem_shared>> -> memref<632x128xf32, #tpu.memory_space<vmem_shared>>
      tpu.wait_dma2 semaphore(%run_scoped3A : memref<!tpu.dma_semaphore, #tpu.memory_space<semaphore_mem>>) src(%dma_wait3A_21 : memref<632x128xf32, #tpu.memory_space<vmem_shared>>) dst(%dma_wait3A_19 : memref<632x128xf32, #tpu.memory_space<hbm>>)
      tpu.yield
    }) : () -> ()
    return
  }
}

module attributes {stable_mosaic.version = 14 : i64} {
  func.func @_mm_body(%arg0: i32, %arg1: i32, %arg2: memref<1x400x128xf32, #tpu.memory_space<vmem>>, %arg3: memref<1x400x128xf32, #tpu.memory_space<vmem>>, %arg4: memref<400x256xf32, #tpu.memory_space<vmem>>, %arg5: memref<128x256xf32, #tpu.memory_space<vmem>>, %arg6: memref<400x128xf32, #tpu.memory_space<vmem>>) attributes {dimension_semantics = [#tpu.dimension_semantics<arbitrary>, #tpu.dimension_semantics<arbitrary>], iteration_bounds = array<i64: 25, 2>, scalar_prefetch = 0 : i64, scratch_operands = 0 : i64, tpu.core_type = #tpu.core_type<tc>, window_params = [{transform_indices = @transform_0, window_bounds = array<i64: 1, 400, 128>}, {transform_indices = @transform_1, window_bounds = array<i64: 1, 400, 128>}, {transform_indices = @transform_2, window_bounds = array<i64: 400, 256>}, {transform_indices = @transform_3, window_bounds = array<i64: 128, 256>}, {transform_indices = @transform_4, window_bounds = array<i64: 400, 128>}]} {
    %get3A = arith.constant 0 : index
    %get3A_0 = arith.constant 0 : index
    %get3A_1 = arith.constant 0 : index
    %get3A_2 = vector.load %arg2[%get3A, %get3A_0, %get3A_1] : memref<1x400x128xf32, #tpu.memory_space<vmem>>, vector<1x400x1xf32>
    %get3A_3 = vector.shape_cast %get3A_2 : vector<1x400x1xf32> to vector<400x1xf32>
    %get3A_4 = arith.constant 0 : index
    %get3A_5 = arith.constant 0 : index
    %get3A_6 = arith.constant 0 : index
    %get3A_7 = vector.load %arg3[%get3A_4, %get3A_5, %get3A_6] : memref<1x400x128xf32, #tpu.memory_space<vmem>>, vector<1x400x1xf32>
    %get3A_8 = vector.shape_cast %get3A_7 : vector<1x400x1xf32> to vector<400x1xf32>
    %add3A = arith.addf %get3A_3, %get3A_8 : vector<400x1xf32>
    %add3A_9 = arith.constant 1.000000e+00 : f32
    %add3A_10 = vector.broadcast %add3A_9 : f32 to vector<400x1xf32>
    %add3A_11 = arith.addf %add3A, %add3A_10 : vector<400x1xf32>
    %rsqrt3A = math.rsqrt %add3A_11 : vector<400x1xf32>
    %get3A_12 = arith.constant 0 : index
    %get3A_13 = arith.constant 0 : index
    %get3A_14 = vector.load %arg4[%get3A_12, %get3A_13] : memref<400x256xf32, #tpu.memory_space<vmem>>, vector<400x256xf32>
    %get3A_15 = arith.constant 0 : index
    %get3A_16 = arith.constant 0 : index
    %get3A_17 = vector.load %arg5[%get3A_15, %get3A_16] : memref<128x256xf32, #tpu.memory_space<vmem>>, vector<128x256xf32>
    %dot_general3A = arith.constant dense<0.000000e+00> : vector<400x128xf32>
    %dot_general3A_18 = tpu.matmul %get3A_14, %get3A_17, %dot_general3A {dimension_numbers = #tpu.dot_dimension_numbers<[1], [1], [0], [0], [0, 0, 1, 0], [], []>, transpose_lhs_hint = false} : vector<400x256xf32>, vector<128x256xf32>, vector<400x128xf32> -> vector<400x128xf32>
    %mul3A = vector.broadcast %rsqrt3A : vector<400x1xf32> to vector<400x128xf32>
    %mul3A_19 = arith.mulf %dot_general3A_18, %mul3A : vector<400x128xf32>
    %swap3A = arith.constant 0 : index
    %swap3A_20 = arith.constant 0 : index
    %swap3A_21 = vector.load %arg6[%swap3A, %swap3A_20] : memref<400x128xf32, #tpu.memory_space<vmem>>, vector<400x128xf32>
    tpu.vector_store %arg6[%swap3A, %swap3A_20], %mul3A_19 {strides = array<i32>} : memref<400x128xf32, #tpu.memory_space<vmem>>, vector<400x128xf32>,
    return
  }
  func.func @transform_0(%arg0: i32, %arg1: i32) -> (i32, i32, i32) {
    %c0_i32 = arith.constant 0 : i32
    %c0_i32_0 = arith.constant 0 : i32
    %c0_i32_1 = arith.constant 0 : i32
    return %c0_i32, %arg0, %c0_i32_0 : i32, i32, i32
  }
  func.func @transform_1(%arg0: i32, %arg1: i32) -> (i32, i32, i32) {
    %c1_i32 = arith.constant 1 : i32
    %c0_i32 = arith.constant 0 : i32
    %c0_i32_0 = arith.constant 0 : i32
    return %c1_i32, %arg0, %c0_i32 : i32, i32, i32
  }
  func.func @transform_2(%arg0: i32, %arg1: i32) -> (i32, i32) {
    %c0_i32 = arith.constant 0 : i32
    %c0_i32_0 = arith.constant 0 : i32
    return %arg0, %c0_i32 : i32, i32
  }
  func.func @transform_3(%arg0: i32, %arg1: i32) -> (i32, i32) {
    %c0_i32 = arith.constant 0 : i32
    %c0_i32_0 = arith.constant 0 : i32
    return %arg1, %c0_i32 : i32, i32
  }
  func.func @transform_4(%arg0: i32, %arg1: i32) -> (i32, i32) {
    %mul3A = arith.constant 25 : i32
    %mul3A_0 = arith.muli %arg1, %mul3A : i32
    %add3A = arith.addi %mul3A_0, %arg0 : i32
    %c0_i32 = arith.constant 0 : i32
    %c0_i32_1 = arith.constant 0 : i32
    return %add3A, %c0_i32 : i32, i32
  }
}

module attributes {stable_mosaic.version = 14 : i64} {
  func.func @_stats_body(%arg0: i32, %arg1: memref<1x400x128xf32, #tpu.memory_space<vmem>>, %arg2: memref<1x400x128xf32, #tpu.memory_space<vmem>>, %arg3: memref<1x400x128xf32, #tpu.memory_space<vmem>>, %arg4: memref<1x400x128xf32, #tpu.memory_space<vmem>>, %arg5: memref<400x128xf32, #tpu.memory_space<vmem>>, %arg6: memref<400x128xf32, #tpu.memory_space<vmem>>, %arg7: memref<1x256xf32, #tpu.memory_space<vmem>>, %arg8: memref<2x256xf32, #tpu.memory_space<vmem>>) attributes {dimension_semantics = [#tpu.dimension_semantics<arbitrary>], iteration_bounds = array<i64: 25>, scalar_prefetch = 0 : i64, scratch_operands = 0 : i64, tpu.core_type = #tpu.core_type<tc>, window_params = [{transform_indices = @transform_0, window_bounds = array<i64: 1, 400, 128>}, {transform_indices = @transform_1, window_bounds = array<i64: 1, 400, 128>}, {transform_indices = @transform_2, window_bounds = array<i64: 1, 400, 128>}, {transform_indices = @transform_3, window_bounds = array<i64: 1, 400, 128>}, {transform_indices = @transform_4, window_bounds = array<i64: 400, 128>}, {transform_indices = @transform_5, window_bounds = array<i64: 400, 128>}, {pipeline_mode = #tpu.pipeline_mode<synchronous>, transform_indices = @transform_6, window_bounds = array<i64: 1, 256>}, {pipeline_mode = #tpu.pipeline_mode<synchronous>, transform_indices = @transform_7, window_bounds = array<i64: 2, 256>}]} {
    %get3A = arith.constant 0 : index
    %get3A_0 = arith.constant 0 : index
    %get3A_1 = arith.constant 0 : index
    %get3A_2 = vector.load %arg1[%get3A, %get3A_0, %get3A_1] : memref<1x400x128xf32, #tpu.memory_space<vmem>>, vector<1x400x1xf32>
    %get3A_3 = vector.shape_cast %get3A_2 : vector<1x400x1xf32> to vector<400x1xf32>
    %get3A_4 = arith.constant 0 : index
    %get3A_5 = arith.constant 0 : index
    %get3A_6 = arith.constant 0 : index
    %get3A_7 = vector.load %arg2[%get3A_4, %get3A_5, %get3A_6] : memref<1x400x128xf32, #tpu.memory_space<vmem>>, vector<1x400x1xf32>
    %get3A_8 = vector.shape_cast %get3A_7 : vector<1x400x1xf32> to vector<400x1xf32>
    %add3A = arith.addf %get3A_3, %get3A_8 : vector<400x1xf32>
    %add3A_9 = arith.constant 1.000000e+00 : f32
    %add3A_10 = vector.broadcast %add3A_9 : f32 to vector<400x1xf32>
    %add3A_11 = arith.addf %add3A, %add3A_10 : vector<400x1xf32>
    %rsqrt3A = math.rsqrt %add3A_11 : vector<400x1xf32>
    %get3A_12 = arith.constant 0 : index
    %get3A_13 = arith.constant 0 : index
    %get3A_14 = arith.constant 0 : index
    %get3A_15 = vector.load %arg3[%get3A_12, %get3A_13, %get3A_14] : memref<1x400x128xf32, #tpu.memory_space<vmem>>, vector<1x400x128xf32>
    %get3A_16 = vector.shape_cast %get3A_15 : vector<1x400x128xf32> to vector<400x128xf32>
    %get3A_17 = arith.constant 0 : index
    %get3A_18 = arith.constant 0 : index
    %get3A_19 = arith.constant 0 : index
    %get3A_20 = vector.load %arg4[%get3A_17, %get3A_18, %get3A_19] : memref<1x400x128xf32, #tpu.memory_space<vmem>>, vector<1x400x128xf32>
    %get3A_21 = vector.shape_cast %get3A_20 : vector<1x400x128xf32> to vector<400x128xf32>
    %concatenate3A = tpu.concatenate %get3A_16, %get3A_21 in 1 : vector<400x128xf32>, vector<400x128xf32> -> vector<400x256xf32>
    %get3A_22 = arith.constant 0 : index
    %get3A_23 = arith.constant 0 : index
    %get3A_24 = vector.load %arg5[%get3A_22, %get3A_23] : memref<400x128xf32, #tpu.memory_space<vmem>>, vector<400x128xf32>
    %get3A_25 = arith.constant 0 : index
    %get3A_26 = arith.constant 0 : index
    %get3A_27 = vector.load %arg6[%get3A_25, %get3A_26] : memref<400x128xf32, #tpu.memory_space<vmem>>, vector<400x128xf32>
    %concatenate3A_28 = tpu.concatenate %get3A_24, %get3A_27 in 1 : vector<400x128xf32>, vector<400x128xf32> -> vector<400x256xf32>
    %add3A_29 = arith.addf %concatenate3A, %concatenate3A_28 : vector<400x256xf32>
    %mul3A = vector.broadcast %rsqrt3A : vector<400x1xf32> to vector<400x256xf32>
    %mul3A_30 = arith.mulf %mul3A, %add3A_29 : vector<400x256xf32>
    %get3A_31 = arith.constant 0 : index
    %get3A_32 = arith.constant 0 : index
    %get3A_33 = vector.load %arg7[%get3A_31, %get3A_32] : memref<1x256xf32, #tpu.memory_space<vmem>>, vector<1x256xf32>
    %add3A_34 = vector.broadcast %get3A_33 : vector<1x256xf32> to vector<400x256xf32>
    %add3A_35 = arith.addf %mul3A_30, %add3A_34 : vector<400x256xf32>
    %reduce_sum3A = arith.constant dense<0.000000e+00> : vector<256xf32>
    %reduce_sum3A_36 = vector.multi_reduction <add>, %add3A_35, %reduce_sum3A [0] : vector<400x256xf32> to vector<256xf32>
    %broadcast_in_dim3A = vector.shape_cast %reduce_sum3A_36 : vector<256xf32> to vector<1x256xf32>
    %mul3A_37 = arith.mulf %add3A_35, %add3A_35 : vector<400x256xf32>
    %reduce_sum3A_38 = arith.constant dense<0.000000e+00> : vector<256xf32>
    %reduce_sum3A_39 = vector.multi_reduction <add>, %mul3A_37, %reduce_sum3A_38 [0] : vector<400x256xf32> to vector<256xf32>
    %broadcast_in_dim3A_40 = vector.shape_cast %reduce_sum3A_39 : vector<256xf32> to vector<1x256xf32>
    %eq3A = arith.constant 0 : i32
    %eq3A_41 = arith.cmpi eq, %arg0, %eq3A : i32
    %convert_element_type3A = arith.extui %eq3A_41 : i1 to i32
    %cond3A = arith.constant 0 : i32
    %cond3A_42 = arith.cmpi ne, %convert_element_type3A, %cond3A : i32
    scf.if %cond3A_42 {
      %broadcast_in_dim3A_50 = arith.constant 0.000000e+00 : f32
      %broadcast_in_dim3A_51 = vector.broadcast %broadcast_in_dim3A_50 : f32 to vector<2x256xf32>
      %swap3A_52 = arith.constant 0 : index
      %swap3A_53 = arith.constant 0 : index
      %swap3A_54 = vector.load %arg8[%swap3A_52, %swap3A_53] : memref<2x256xf32, #tpu.memory_space<vmem>>, vector<2x256xf32>
      tpu.vector_store %arg8[%swap3A_52, %swap3A_53], %broadcast_in_dim3A_51 {strides = array<i32>} : memref<2x256xf32, #tpu.memory_space<vmem>>, vector<2x256xf32>,
    } else {
    }
    %get3A_43 = arith.constant 0 : index
    %get3A_44 = arith.constant 0 : index
    %get3A_45 = vector.load %arg8[%get3A_43, %get3A_44] : memref<2x256xf32, #tpu.memory_space<vmem>>, vector<2x256xf32>
    %concatenate3A_46 = tpu.concatenate %broadcast_in_dim3A, %broadcast_in_dim3A_40 in 0 : vector<1x256xf32>, vector<1x256xf32> -> vector<2x256xf32>
    %add3A_47 = arith.addf %get3A_45, %concatenate3A_46 : vector<2x256xf32>
    %swap3A = arith.constant 0 : index
    %swap3A_48 = arith.constant 0 : index
    %swap3A_49 = vector.load %arg8[%swap3A, %swap3A_48] : memref<2x256xf32, #tpu.memory_space<vmem>>, vector<2x256xf32>
    tpu.vector_store %arg8[%swap3A, %swap3A_48], %add3A_47 {strides = array<i32>} : memref<2x256xf32, #tpu.memory_space<vmem>>, vector<2x256xf32>,
    return
  }
  func.func @transform_0(%arg0: i32) -> (i32, i32, i32) {
    %c0_i32 = arith.constant 0 : i32
    %c0_i32_0 = arith.constant 0 : i32
    %c0_i32_1 = arith.constant 0 : i32
    return %c0_i32, %arg0, %c0_i32_0 : i32, i32, i32
  }
  func.func @transform_1(%arg0: i32) -> (i32, i32, i32) {
    %c1_i32 = arith.constant 1 : i32
    %c0_i32 = arith.constant 0 : i32
    %c0_i32_0 = arith.constant 0 : i32
    return %c1_i32, %arg0, %c0_i32 : i32, i32, i32
  }
  func.func @transform_2(%arg0: i32) -> (i32, i32, i32) {
    %c0_i32 = arith.constant 0 : i32
    %c0_i32_0 = arith.constant 0 : i32
    %c0_i32_1 = arith.constant 0 : i32
    return %c0_i32, %arg0, %c0_i32_0 : i32, i32, i32
  }
  func.func @transform_3(%arg0: i32) -> (i32, i32, i32) {
    %c1_i32 = arith.constant 1 : i32
    %c0_i32 = arith.constant 0 : i32
    %c0_i32_0 = arith.constant 0 : i32
    return %c1_i32, %arg0, %c0_i32 : i32, i32, i32
  }
  func.func @transform_4(%arg0: i32) -> (i32, i32) {
    %c0_i32 = arith.constant 0 : i32
    %c0_i32_0 = arith.constant 0 : i32
    return %arg0, %c0_i32 : i32, i32
  }
  func.func @transform_5(%arg0: i32) -> (i32, i32) {
    %add3A = arith.constant 25 : i32
    %add3A_0 = arith.addi %add3A, %arg0 : i32
    %c0_i32 = arith.constant 0 : i32
    %c0_i32_1 = arith.constant 0 : i32
    return %add3A_0, %c0_i32 : i32, i32
  }
  func.func @transform_6(%arg0: i32) -> (i32, i32) {
    %c0_i32 = arith.constant 0 : i32
    %c0_i32_0 = arith.constant 0 : i32
    %c0_i32_1 = arith.constant 0 : i32
    return %c0_i32, %c0_i32_0 : i32, i32
  }
  func.func @transform_7(%arg0: i32) -> (i32, i32) {
    %c0_i32 = arith.constant 0 : i32
    %c0_i32_0 = arith.constant 0 : i32
    %c0_i32_1 = arith.constant 0 : i32
    return %c0_i32, %c0_i32_0 : i32, i32
  }
}

module attributes {stable_mosaic.version = 14 : i64} {
  func.func @_bn_body(%arg0: i32, %arg1: memref<1x400x128xf32, #tpu.memory_space<vmem>>, %arg2: memref<1x400x128xf32, #tpu.memory_space<vmem>>, %arg3: memref<1x400x128xf32, #tpu.memory_space<vmem>>, %arg4: memref<1x400x128xf32, #tpu.memory_space<vmem>>, %arg5: memref<400x128xf32, #tpu.memory_space<vmem>>, %arg6: memref<400x128xf32, #tpu.memory_space<vmem>>, %arg7: memref<1x256xf32, #tpu.memory_space<vmem>>, %arg8: memref<2x256xf32, #tpu.memory_space<vmem>>, %arg9: memref<1x256xf32, #tpu.memory_space<vmem>>, %arg10: memref<1x256xf32, #tpu.memory_space<vmem>>, %arg11: memref<400x256xf32, #tpu.memory_space<vmem>>) attributes {dimension_semantics = [#tpu.dimension_semantics<arbitrary>], iteration_bounds = array<i64: 25>, scalar_prefetch = 0 : i64, scratch_operands = 0 : i64, tpu.core_type = #tpu.core_type<tc>, window_params = [{transform_indices = @transform_0, window_bounds = array<i64: 1, 400, 128>}, {transform_indices = @transform_1, window_bounds = array<i64: 1, 400, 128>}, {transform_indices = @transform_2, window_bounds = array<i64: 1, 400, 128>}, {transform_indices = @transform_3, window_bounds = array<i64: 1, 400, 128>}, {transform_indices = @transform_4, window_bounds = array<i64: 400, 128>}, {transform_indices = @transform_5, window_bounds = array<i64: 400, 128>}, {pipeline_mode = #tpu.pipeline_mode<synchronous>, transform_indices = @transform_6, window_bounds = array<i64: 1, 256>}, {pipeline_mode = #tpu.pipeline_mode<synchronous>, transform_indices = @transform_7, window_bounds = array<i64: 2, 256>}, {pipeline_mode = #tpu.pipeline_mode<synchronous>, transform_indices = @transform_8, window_bounds = array<i64: 1, 256>}, {pipeline_mode = #tpu.pipeline_mode<synchronous>, transform_indices = @transform_9, window_bounds = array<i64: 1, 256>}, {transform_indices = @transform_10, window_bounds = array<i64: 400, 256>}]} {
    %get3A = arith.constant 0 : index
    %get3A_0 = arith.constant 0 : index
    %get3A_1 = arith.constant 0 : index
    %get3A_2 = vector.load %arg1[%get3A, %get3A_0, %get3A_1] : memref<1x400x128xf32, #tpu.memory_space<vmem>>, vector<1x400x1xf32>
    %get3A_3 = vector.shape_cast %get3A_2 : vector<1x400x1xf32> to vector<400x1xf32>
    %get3A_4 = arith.constant 0 : index
    %get3A_5 = arith.constant 0 : index
    %get3A_6 = arith.constant 0 : index
    %get3A_7 = vector.load %arg2[%get3A_4, %get3A_5, %get3A_6] : memref<1x400x128xf32, #tpu.memory_space<vmem>>, vector<1x400x1xf32>
    %get3A_8 = vector.shape_cast %get3A_7 : vector<1x400x1xf32> to vector<400x1xf32>
    %add3A = arith.addf %get3A_3, %get3A_8 : vector<400x1xf32>
    %add3A_9 = arith.constant 1.000000e+00 : f32
    %add3A_10 = vector.broadcast %add3A_9 : f32 to vector<400x1xf32>
    %add3A_11 = arith.addf %add3A, %add3A_10 : vector<400x1xf32>
    %rsqrt3A = math.rsqrt %add3A_11 : vector<400x1xf32>
    %get3A_12 = arith.constant 0 : index
    %get3A_13 = arith.constant 0 : index
    %get3A_14 = arith.constant 0 : index
    %get3A_15 = vector.load %arg3[%get3A_12, %get3A_13, %get3A_14] : memref<1x400x128xf32, #tpu.memory_space<vmem>>, vector<1x400x128xf32>
    %get3A_16 = vector.shape_cast %get3A_15 : vector<1x400x128xf32> to vector<400x128xf32>
    %get3A_17 = arith.constant 0 : index
    %get3A_18 = arith.constant 0 : index
    %get3A_19 = arith.constant 0 : index
    %get3A_20 = vector.load %arg4[%get3A_17, %get3A_18, %get3A_19] : memref<1x400x128xf32, #tpu.memory_space<vmem>>, vector<1x400x128xf32>
    %get3A_21 = vector.shape_cast %get3A_20 : vector<1x400x128xf32> to vector<400x128xf32>
    %concatenate3A = tpu.concatenate %get3A_16, %get3A_21 in 1 : vector<400x128xf32>, vector<400x128xf32> -> vector<400x256xf32>
    %get3A_22 = arith.constant 0 : index
    %get3A_23 = arith.constant 0 : index
    %get3A_24 = vector.load %arg5[%get3A_22, %get3A_23] : memref<400x128xf32, #tpu.memory_space<vmem>>, vector<400x128xf32>
    %get3A_25 = arith.constant 0 : index
    %get3A_26 = arith.constant 0 : index
    %get3A_27 = vector.load %arg6[%get3A_25, %get3A_26] : memref<400x128xf32, #tpu.memory_space<vmem>>, vector<400x128xf32>
    %concatenate3A_28 = tpu.concatenate %get3A_24, %get3A_27 in 1 : vector<400x128xf32>, vector<400x128xf32> -> vector<400x256xf32>
    %add3A_29 = arith.addf %concatenate3A, %concatenate3A_28 : vector<400x256xf32>
    %mul3A = vector.broadcast %rsqrt3A : vector<400x1xf32> to vector<400x256xf32>
    %mul3A_30 = arith.mulf %mul3A, %add3A_29 : vector<400x256xf32>
    %get3A_31 = arith.constant 0 : index
    %get3A_32 = arith.constant 0 : index
    %get3A_33 = vector.load %arg7[%get3A_31, %get3A_32] : memref<1x256xf32, #tpu.memory_space<vmem>>, vector<1x256xf32>
    %add3A_34 = vector.broadcast %get3A_33 : vector<1x256xf32> to vector<400x256xf32>
    %add3A_35 = arith.addf %mul3A_30, %add3A_34 : vector<400x256xf32>
    %get3A_36 = arith.constant 0 : index
    %get3A_37 = arith.constant 0 : index
    %get3A_38 = vector.load %arg8[%get3A_36, %get3A_37] : memref<2x256xf32, #tpu.memory_space<vmem>>, vector<1x256xf32>
    %mul3A_39 = arith.constant 9.99999974E-5 : f32
    %mul3A_40 = vector.broadcast %mul3A_39 : f32 to vector<1x256xf32>
    %mul3A_41 = arith.mulf %get3A_38, %mul3A_40 : vector<1x256xf32>
    %get3A_42 = arith.constant 1 : index
    %get3A_43 = arith.constant 0 : index
    %get3A_44 = vector.load %arg8[%get3A_42, %get3A_43] : memref<2x256xf32, #tpu.memory_space<vmem>>, vector<1x256xf32>
    %mul3A_45 = arith.constant 9.99999974E-5 : f32
    %mul3A_46 = vector.broadcast %mul3A_45 : f32 to vector<1x256xf32>
    %mul3A_47 = arith.mulf %get3A_44, %mul3A_46 : vector<1x256xf32>
    %mul3A_48 = arith.mulf %mul3A_41, %mul3A_41 : vector<1x256xf32>
    %sub3A = arith.subf %mul3A_47, %mul3A_48 : vector<1x256xf32>
    %add3A_49 = arith.constant 9.99999974E-6 : f32
    %add3A_50 = vector.broadcast %add3A_49 : f32 to vector<1x256xf32>
    %add3A_51 = arith.addf %sub3A, %add3A_50 : vector<1x256xf32>
    %rsqrt3A_52 = math.rsqrt %add3A_51 : vector<1x256xf32>
    %sub3A_53 = vector.broadcast %mul3A_41 : vector<1x256xf32> to vector<400x256xf32>
    %sub3A_54 = arith.subf %add3A_35, %sub3A_53 : vector<400x256xf32>
    %mul3A_55 = vector.broadcast %rsqrt3A_52 : vector<1x256xf32> to vector<400x256xf32>
    %mul3A_56 = arith.mulf %sub3A_54, %mul3A_55 : vector<400x256xf32>
    %get3A_57 = arith.constant 0 : index
    %get3A_58 = arith.constant 0 : index
    %get3A_59 = vector.load %arg9[%get3A_57, %get3A_58] : memref<1x256xf32, #tpu.memory_space<vmem>>, vector<1x256xf32>
    %mul3A_60 = vector.broadcast %get3A_59 : vector<1x256xf32> to vector<400x256xf32>
    %mul3A_61 = arith.mulf %mul3A_56, %mul3A_60 : vector<400x256xf32>
    %get3A_62 = arith.constant 0 : index
    %get3A_63 = arith.constant 0 : index
    %get3A_64 = vector.load %arg10[%get3A_62, %get3A_63] : memref<1x256xf32, #tpu.memory_space<vmem>>, vector<1x256xf32>
    %add3A_65 = vector.broadcast %get3A_64 : vector<1x256xf32> to vector<400x256xf32>
    %add3A_66 = arith.addf %mul3A_61, %add3A_65 : vector<400x256xf32>
    %max3A = arith.constant 0.000000e+00 : f32
    %max3A_67 = vector.broadcast %max3A : f32 to vector<400x256xf32>
    %max3A_68 = arith.maximumf %add3A_66, %max3A_67 : vector<400x256xf32>
    %swap3A = arith.constant 0 : index
    %swap3A_69 = arith.constant 0 : index
    %swap3A_70 = vector.load %arg11[%swap3A, %swap3A_69] : memref<400x256xf32, #tpu.memory_space<vmem>>, vector<400x256xf32>
    tpu.vector_store %arg11[%swap3A, %swap3A_69], %max3A_68 {strides = array<i32>} : memref<400x256xf32, #tpu.memory_space<vmem>>, vector<400x256xf32>,
    return
  }
  func.func @transform_0(%arg0: i32) -> (i32, i32, i32) {
    %c0_i32 = arith.constant 0 : i32
    %c0_i32_0 = arith.constant 0 : i32
    %c0_i32_1 = arith.constant 0 : i32
    return %c0_i32, %arg0, %c0_i32_0 : i32, i32, i32
  }
  func.func @transform_1(%arg0: i32) -> (i32, i32, i32) {
    %c1_i32 = arith.constant 1 : i32
    %c0_i32 = arith.constant 0 : i32
    %c0_i32_0 = arith.constant 0 : i32
    return %c1_i32, %arg0, %c0_i32 : i32, i32, i32
  }
  func.func @transform_2(%arg0: i32) -> (i32, i32, i32) {
    %c0_i32 = arith.constant 0 : i32
    %c0_i32_0 = arith.constant 0 : i32
    %c0_i32_1 = arith.constant 0 : i32
    return %c0_i32, %arg0, %c0_i32_0 : i32, i32, i32
  }
  func.func @transform_3(%arg0: i32) -> (i32, i32, i32) {
    %c1_i32 = arith.constant 1 : i32
    %c0_i32 = arith.constant 0 : i32
    %c0_i32_0 = arith.constant 0 : i32
    return %c1_i32, %arg0, %c0_i32 : i32, i32, i32
  }
  func.func @transform_4(%arg0: i32) -> (i32, i32) {
    %c0_i32 = arith.constant 0 : i32
    %c0_i32_0 = arith.constant 0 : i32
    return %arg0, %c0_i32 : i32, i32
  }
  func.func @transform_5(%arg0: i32) -> (i32, i32) {
    %add3A = arith.constant 25 : i32
    %add3A_0 = arith.addi %add3A, %arg0 : i32
    %c0_i32 = arith.constant 0 : i32
    %c0_i32_1 = arith.constant 0 : i32
    return %add3A_0, %c0_i32 : i32, i32
  }
  func.func @transform_6(%arg0: i32) -> (i32, i32) {
    %c0_i32 = arith.constant 0 : i32
    %c0_i32_0 = arith.constant 0 : i32
    %c0_i32_1 = arith.constant 0 : i32
    return %c0_i32, %c0_i32_0 : i32, i32
  }
  func.func @transform_7(%arg0: i32) -> (i32, i32) {
    %c0_i32 = arith.constant 0 : i32
    %c0_i32_0 = arith.constant 0 : i32
    %c0_i32_1 = arith.constant 0 : i32
    return %c0_i32, %c0_i32_0 : i32, i32
  }
  func.func @transform_8(%arg0: i32) -> (i32, i32) {
    %c0_i32 = arith.constant 0 : i32
    %c0_i32_0 = arith.constant 0 : i32
    %c0_i32_1 = arith.constant 0 : i32
    return %c0_i32, %c0_i32_0 : i32, i32
  }
  func.func @transform_9(%arg0: i32) -> (i32, i32) {
    %c0_i32 = arith.constant 0 : i32
    %c0_i32_0 = arith.constant 0 : i32
    %c0_i32_1 = arith.constant 0 : i32
    return %c0_i32, %c0_i32_0 : i32, i32
  }
  func.func @transform_10(%arg0: i32) -> (i32, i32) {
    %c0_i32 = arith.constant 0 : i32
    %c0_i32_0 = arith.constant 0 : i32
    return %arg0, %c0_i32 : i32, i32
  }
}

</mosaic_0001>

<sc_bundles>
// kernel: kernel.10.cloned.1.call-start
scs
__scs_entry_jumppad:
0x0: {  	(pc) =	sbr.rel $0x88, $3  }
0x1: {  	(tag) =	ssettag $0x0;
	lr =	simm.s32 $0x1  }
0x2: {  	[smem:$0x3F9B] =	sst lr;
	_ =	strace $0xD0000000  }
0x3: {  	_ = 	snop  }
0x4: {  	_ = 	snop  }
0x5: {  	_ = 	snop  }
0x6: {  	_ = 	snop  }
0x7: {  	_ = 	snop  }
__scs_overlays_trampoline_lowered:
0x8: {  	[smem:$0x3FAA] =	sst s0  }
0x9: {  	[smem:$0x3FAB] =	sst s1  }
0xa: {  	[smem:$0x3FAC] =	sst s2  }
0xb: {  	[smem:$0x3FAD] =	sst s3  }
0xc: {  	[smem:$0x3FAE] =	sst s4  }
0xd: {  	[smem:$0x3FAF] =	sst s5  }
0xe: {  	[smem:$0x3FB0] =	sst s6  }
0xf: {  	[smem:$0x3FB1] =	sst s7  }
0x10: {  	[smem:$0x3FB2] =	sst s8  }
0x11: {  	[smem:$0x3FB3] =	sst s9;
	s0 =	simm.s32 @!p0 $0x0  }
0x12: {  	s1 =	sld [smem:$0x3F99];
	s0 =	simm.s32 @p0 $0x1  }
0x13: {  	[smem:$0x3FB4] =	sst s0;
	s0 =	simm.s32 @!p1 $0x0  }
0x14: {  	s2 =	sld [smem:$0x3F98];
	s0 =	simm.s32 @p1 $0x1  }
0x15: {  	[smem:$0x3FB5] =	sst s0;
	s0 =	simm.s32 @!p2 $0x0  }
0x16: {  	s3 =	sld [smem:$0x3FDB];
	s0 =	simm.s32 @p2 $0x1  }
0x17: {  	s4 =	simm.s32 $0x1BF5;
	[smem:$0x3FB7] =	sst s0  }
0x18: {  	s0 =	sld [smem:$0x3F9A];
	_ =	swait.ge [sflag:s4], $0x0  }
0x19: {  	s7 =	sld [smem:$0x3F9B]  }
0x1a: {  	s8 =	sadd.s32 $0xFFFFE003, lr  }
0x1b: {  	s9 =	sadd.s32 $0xFFFFFEF7, lr;
	s5 =	simm.s32 $0xFFFFFFFF;
	p2 =	slt.u32 s8, $0xFFFFF086  }
0x1c: {  	p1 =	slt.u32 s9, $0xF7A;
	s5 =	simm.s32 @!p2 $0x0  }
0x1d: {  	s5 =	simm.s32 @p1 $0x1;
	p0 =	seq.s32 s7, s2  }
0x1e: {  	s7 =	smul.u32 @!p0 $0xF7A, s2;
	p2 =	seq.s32 @!p0 s5, $0x0  }
0x1f: {  	s9 =	smul.u32 $0xF7A, s1;
	s8 =	simm.s32 @!p0 $0x1BF5;
	p2 =	por !p2, p0  }
0x20: {  	[sflag:s8] =	ssyncset.s32 @!p0 $0xFFFFF086;
	s6 =	sadd.s32 @!p0 s3, s7;
	s7 =	simm.s32 @!p0 $0x108  }
0x21: {  	s3 =	sadd.s32 s3, s9;
	s6 =	sadd.s32 @!p0 $0x88, s6;
	s7 =	simm.s32 @p2 $0x1082  }
0x22: {  	[simem:s7], [sflag:s8] =	dma.local @!p0 [hbm:s6], $0xF7A  }
0x23: {  	s9 =	sor.u32 $0xD0000000, s2;
	s6 =	simm.s32 $0x108;
	_ =	swait.ge @!p0 [sflag:s8], $0x0  }
0x24: {  	s3 =	sadd.s32 $0x88, s3;
	s6 =	simm.s32 @!p1 $0x1082;
	[sflag:s4] =	ssyncset.s32 $0xFFFFF086  }
0x25: {  	[simem:s6], [sflag:s4] =	dma.local [hbm:s3], $0xF7A  }
0x26: {  	[smem:$0x3F9B] =	sst s1;
	(tag) =	ssettag s2;
	_ =	strace s9  }
0x27: {  	s1 =	sld [smem:$0x3FAB]  }
0x28: {  	s2 =	sld [smem:$0x3FAC]  }
0x29: {  	s4 =	sld [smem:$0x3FAE]  }
0x2a: {  	p0 =	seq.s32 s5, $0x0;
	s5 =	sld [smem:$0x3FAF]  }
0x2b: {  	s6 =	sld [smem:$0x3FB0]  }
0x2c: {  	s7 =	sld [smem:$0x3FB1]  }
0x2d: {  	s3 =	simm.s32 $0x108;
	s8 =	sld [smem:$0x3FB2]  }
0x2e: {  	s3 =	simm.s32 @!p0 $0x1082;
	s9 =	sld [smem:$0x3FB3]  }
0x2f: {  	lr =	sadd.s32 s0, s3;
	s0 =	sld [smem:$0x3FAA]  }
0x30: {  	s3 =	sld [smem:$0x3FAD]  }
0x31: {  	[smem:$0x3FB6] =	sst s10  }
0x32: {  	s10 =	sld [smem:$0x3FB4];
	_ =	sdelay $0x3  }
0x33: {  	p0 =	seq.s32 s10, $0x1;
	s10 =	sld [smem:$0x3FB6];
	_ =	sdelay $0x3  }
0x34: {  	[smem:$0x3FB6] =	sst s10  }
0x35: {  	s10 =	sld [smem:$0x3FB5];
	_ =	sdelay $0x3  }
0x36: {  	p1 =	seq.s32 s10, $0x1;
	s10 =	sld [smem:$0x3FB6];
	_ =	sdelay $0x3  }
0x37: {  	[smem:$0x3FB6] =	sst s10  }
0x38: {  	s10 =	sld [smem:$0x3FB7]  }
0x39: {  	_ = 	snop;
	(pc) =	sbr.ind lr, $3  }
0x3a: {  	_ = 	snop  }
0x3b: {  	_ = 	snop  }
0x3c: {  	p2 =	seq.s32 s10, $0x1;
	s10 =	sld [smem:$0x3FB6]  }
0x3d: {  	_ =	shalt  }
0x3e: {  	_ =	shalt  }
0x3f: {  	_ =	shalt  }
0x40: {  	_ =	shalt  }
0x41: {  	_ =	shalt  }
0x42: {  	_ =	shalt  }
0x43: {  	_ =	shalt  }
0x44: {  	_ =	shalt  }
0x45: {  	_ =	shalt  }
0x46: {  	_ =	shalt  }
0x47: {  	_ =	shalt  }
0x48: {  	_ =	shalt  }
0x49: {  	_ =	shalt  }
0x4a: {  	_ =	shalt  }
0x4b: {  	_ =	shalt  }
0x4c: {  	_ =	shalt  }
0x4d: {  	_ =	shalt  }
0x4e: {  	_ =	shalt  }
0x4f: {  	_ =	shalt  }
0x50: {  	_ =	shalt  }
0x51: {  	_ =	shalt  }
0x52: {  	_ =	shalt  }
0x53: {  	_ =	shalt  }
0x54: {  	_ =	shalt  }
0x55: {  	_ =	shalt  }
0x56: {  	_ =	shalt  }
0x57: {  	_ =	shalt  }
0x58: {  	_ =	shalt  }
0x59: {  	_ =	shalt  }
0x5a: {  	_ =	shalt  }
0x5b: {  	_ =	shalt  }
0x5c: {  	_ =	shalt  }
0x5d: {  	_ =	shalt  }
0x5e: {  	_ =	shalt  }
0x5f: {  	_ =	shalt  }
0x60: {  	_ =	shalt  }
0x61: {  	_ =	shalt  }
0x62: {  	_ =	shalt  }
0x63: {  	_ =	shalt  }
0x64: {  	_ =	shalt  }
0x65: {  	_ =	shalt  }
0x66: {  	_ =	shalt  }
0x67: {  	_ =	shalt  }
0x68: {  	_ =	shalt  }
0x69: {  	_ =	shalt  }
0x6a: {  	_ =	shalt  }
0x6b: {  	_ =	shalt  }
0x6c: {  	_ =	shalt  }
0x6d: {  	_ =	shalt  }
0x6e: {  	_ =	shalt  }
0x6f: {  	_ =	shalt  }
0x70: {  	_ =	shalt  }
0x71: {  	_ =	shalt  }
0x72: {  	_ =	shalt  }
0x73: {  	_ =	shalt  }
0x74: {  	_ =	shalt  }
0x75: {  	_ =	shalt  }
0x76: {  	_ =	shalt  }
0x77: {  	_ =	shalt  }
0x78: {  	_ =	shalt  }
0x79: {  	_ =	shalt  }
0x7a: {  	_ =	shalt  }
0x7b: {  	_ =	shalt  }
0x7c: {  	_ =	shalt  }
0x7d: {  	_ =	shalt  }
0x7e: {  	_ =	shalt  }
0x7f: {  	_ =	shalt  }
0x80: {  	_ =	shalt  }
0x81: {  	_ =	shalt  }
0x82: {  	_ =	shalt  }
0x83: {  	_ =	shalt  }
0x84: {  	_ =	shalt  }
0x85: {  	_ =	shalt  }
0x86: {  	_ =	shalt  }
0x87: {  	_ =	shalt  }
.Lfunc_end0:
.L_simem_size_0:
called_computation.1_lowered:
.L_overlay_start_0:
0x88: {  	s2 =	sld [smem:$0x3FD9]  }
0x89: {  	s3 =	sld [smem:$0x3FFE];
	_ =	sdelay $0x1  }
0x8a: {  	s1 =	srdreg.scid  }
0x8b: {  	s0 =	sand.u32 $0x1, s1  }
0x8c: {  	s17 =	sshll.u32 s0, $0xA;
	s2 =	sadd.s32 s3, s2  }
0x8d: {  	s2 =	sadd.s32 s2, s17  }
0x8e: {  	[smem:$0x3FC2] =	sst s2  }
0x8f: {  	_ = 	snop  }
0x90: {  	s2 =	sld [smem:$0x3FD0];
	(tm) =	ssettm $0x1  }
0x91: {  	s18 =	sld [smem:$0x3FFB];
	_ =	sdelay $0x3  }
0x92: {  	_ =	strace s18  }
0x93: {  	s3 =	sld [smem:$0x3FFC];
	_ =	sdelay $0x3  }
0x94: {  	_ =	strace s3  }
0x95: {  	s3 =	sld [smem:$0x3FFD];
	_ =	sdelay $0x3  }
0x96: {  	_ =	strace s3  }
0x97: {  	_ =	strace $0x8FFFFFFF  }
0x98: {  	s19 =	sld [smem:$0x3FDB];
	_ =	sdelay $0x1  }
0x99: {  	s4 =	simm.s32 $_scs_section_size  }
0x9a: {  	s5 =	simm.s32 $_size__tile_overlayer_lowered;
	s6 =	simm.s32 $_tile_overlayer_lowered  }
0x9b: {  	s22 =	simm.s32 $0x1BFF;
	s21 =	sshll.u32 s6, $0x1;
	s3 =	sadd.s32 s4, s19  }
0x9c: {  	s7 =	simm.s32 $0x0;
	s20 =	sshll.u32 s5, $0x1;
	s5 =	sadd.s32 s21, s3  }
0x9d: {  	[timem:s7], [sflag:s22] =	dma.local [hbm:s5], s20  }
0x9e: {  	_ =	swait.ge [sflag:s22], s20  }
0x9f: {  	s4 =	ssub.s32 $0x0, s20;
	[sflag:s22] =	ssyncset.done $0x0  }
0xa0: {  	[sflag:s22] =	ssyncadd.s32 s4;
	_ =	sdelay $0x1  }
0xa1: {  	s23 =	simm.s32 $0x1B8B  }
0xa2: {  	_ =	swait.ge [sflag:s23], $0x1  }
0xa3: {  	[sflag:s23] =	ssyncset.done $0x0  }
0xa4: {  	s25 =	simm.s32 $0x1B8E;
	s24 =	sld [smem:$0x3FFE];
	[sflag:s23] =	ssyncadd.s32 $0xFFFFFFFF  }
0xa5: {  	s26 =	simm.s32 $execute0_lowered;
	[smem:$0x3FD2] =	sst s25  }
0xa6: {  	s5 =	sshll.u32 s26, $0x1;
	_ =	strace $0x80000049;
	[dreg:$0x1] =	wrdreg $0xFFFFFFFF  }
0xa7: {  	s28 =	simm.s32 $_size_execute0_lowered;
	s3 =	sadd.s32 s3, s5;
	[dreg:$0x0] =	wrdreg $0x0  }
0xa8: {  	s5 =	sshll.u32 s28, $0x1;
	[dreg:$0x2] =	wrdreg s3  }
0xa9: {  	[dreg:$0x3] =	wrdreg s5  }
0xaa: {  	[dreg:$0x4] =	wrdreg $0xC0  }
0xab: {  	_ =	task [dreg:s7], $0x5FFFF  }
0xac: {  	[dreg:$0x1] =	wrdreg $0xFFFFFFFF  }
0xad: {  	[dreg:$0x0] =	wrdreg $0x60  }
0xae: {  	[dreg:$0x2] =	wrdreg s2  }
0xaf: {  	[dreg:$0x3] =	wrdreg s24  }
0xb0: {  	[dreg:$0x4] =	wrdreg $0x82000  }
0xb1: {  	[dreg:$0x5] =	wrdreg $0x9  }
0xb2: {  	_ =	task.clear_ibuf [dreg:s7], $0x6FFFF;
	_ =	strace $0x90000049  }
0xb3: {  	s29 =	simm.s32 $0x9;
	_ =	strace $0x8000004B  }
0xb4: {  	_ =	swait.ge [sflag:s29], $0x1  }
0xb5: {  	[sflag:s29] =	ssyncadd.s32 $0xFFFFFFFF  }
0xb6: {  	_ =	strace $0x9000004B  }
0xb7: {  	_ =	sfence  }
0xb8: {  	s30 =	sld [smem:$0x0];
	_ =	sdelay $0x2  }
0xb9: {  	s31 =	sshll.u32 s1, $0xD;
	s1 =	sshrl.u32 s1, $0x2  }
0xba: {  	s3 =	sand.u32 $0x4000, s31;
	s1 =	sadd.s32 s1, s30  }
0xbb: {  	s0 =	sor.u32 s3, s0;
	s1 =	sshll.u32 s1, $0x11  }
0xbc: {  	s0 =	sor.u32 s1, s0  }
0xbd: {  	s0 =	sadd.s32 $0x8F2B, s0  }
0xbe: {  	[sflag:s0] =	ssyncadd.remote.s32 $0x1  }
0xbf: {  	_ =	sfence.sel $0xFFFF  }
0xc0: {  	[dreg:$0x0] =	wrdreg $0xFFFFFFFF;
	(pc) =	sbr.abs _section_cstart, $3  }
0xc1: {  	[dreg:$0x1] =	wrdreg $0xFFFFFFFF  }
0xc2: {  	_ =	task.clear_ibuf [dreg:s7], $0x2FFFF;
	_ =	strace $0x9FFFFFFF  }
0xc3: {  	(tm) =	ssettm $0x7FFFFFFF  }
tec
execute0_lowered:
.L_overlay_start_1:
0x0: {  	(tag) =	ssettag $0x1  }
0x1: {  	s1 =	rddreg [dreg:$0x0]  }
0x2: {  	s6 =	rddreg [dreg:$0x1]  }
0x3: {  	s3 =	rddreg [dreg:$0x2]  }
0x4: {  	s0 =	rddreg [dreg:$0x3];
	s4 =	simm.s32 $0x0;
	s5 =	srdreg.scid  }
0x5: {  	s2 =	stileid.u32;
	s19 =	simm.s32 $0x80;
	s20 =	simm.s32 $0x200  }
0x6: {  	s21 =	simm.s32 $0x180;
	s22 =	simm.s32 $0x1;
	s8 =	smul.u32 $0x2780, s2  }
0x7: {  	s23 =	simm.s32 $0x4200;
	s24 =	simm.s32 $0x2;
	s10 =	smul.u32 $0x4F000, s2  }
0x8: {  	[smem:$0x7FF] =	sst s4;
	s7 =	sand.u32 $0x1, s5;
	s12 =	smul.u32 $0x2800, s2  }
0x9: {  	s15 =	sadd.s32 $0x58C00, s6;
	s13 =	sadd.s32 $0x2400, s6;
	s30 =	smul.u32 $0x500, s2  }
0xa: {  	s5 =	sadd.s32 $0x7400, s6;
	s28 =	sshll.u32 s2, $0x6;
	s9 =	smul.u32 $0x27800, s7  }
0xb: {  	_ =	strace $0x8000004A;
	s11 =	ssub.s32 $0x2, s7;
	s7 =	smul.u32 $0x28000, s7  }
0xc: {  	s25 =	sshrl.u32 s11, $0x1;
	s26 =	sshrl.u32 s10, $0x2;
	s29 =	sshrl.u32 s12, $0x3  }
0xd: {  	s8 =	sadd.s32 s8, s9;
	s11 =	ssub.s32 s11, s25;
	s16 =	sadd.s32 s26, s3  }
0xe: {  	s17 =	sadd.s32 s12, s7;
	s25 =	simm.s32 $0x0;
	s14 =	sadd.s32 s8, s6  }
0xf: {  	s6 =	sor.u32 $0x1C03, s28;
	s7 =	sshrl.u32 s17, $0x3;
	s8 =	sadd.s32 s13, s29  }
0x10: {  	s10 =	smax.u32 s11, $0x1;
	s18 =	sor.u32 $0x80, s17;
	s17 =	sor.u32 $0x100, s17  }
0x11: {  	s13 =	sadd.s32 s30, s13;
	s16 =	sshrl.u32 s16, $0x3;
	s7 =	sadd.s32 s15, s7  }
0x12: {  	s9 =	sadd.s32 $0x62C00, s14;
	s12 =	sadd.s32 $0x4F0, s8;
	s31 =	sshrl.u32 s18, $0x3  }
0x13: {  	s17 =	sshrl.u32 s17, $0x3;
	s18 =	simm.s32 $0x100;
	s11 =	sadd.s32 $0x4F0, s7  }
0x14: {  	s14 =	sadd.s32 s31, s15;
	s15 =	sadd.s32 s17, s15;
	s17 =	simm.s32 $0x3  }
.LBB2_1:
0x15: {  	[spmem:s16], [sflag:s6] =	dma.local [hbm:s5], $0x2780  }
0x16: {  	_ =	swait.ge [sflag:s17], $0x2780  }
0x17: {  	[sflag:s17] =	ssyncset.done $0x0  }
0x18: {  	[sflag:s17] =	ssyncadd.s32 $0xFFFFD880  }
0x19: {  	[bflag:$0x0] =	sbarrier.arrive $0xFFFF  }
0x1a: {  	[tilespmem:s4], [sflag:$0x3] =	stream.linear.gather [hbm4b:s7+s4], $0x80, $0x38;
	[tilespmem:$0x1BE00] =	vst v63  }
0x1b: {  	_ =	swait.ge [sflag:s17], $0x80  }
0x1c: {  	[sflag:s17] =	ssyncset.done $0x0  }
0x1d: {  	[sflag:s17] =	ssyncadd.s32 $0xFFFFFF80  }
0x1e: {  	[tilespmem:s18], [sflag:$0x3] =	stream.linear.gather [hbm4b:s8+s4], $0x80, $0x38;
	[tilespmem:$0x1BE00] =	vst v63  }
0x1f: {  	_ =	swait.ge [sflag:s17], $0x80  }
0x20: {  	[sflag:s17] =	ssyncset.done $0x0  }
0x21: {  	[sflag:s17] =	ssyncadd.s32 $0xFFFFFF80  }
0x22: {  	[tilespmem:s20], [sflag:$0x1] =	stream.indirect.gather [hbm4b:s1+s19], $0x80, s4, s19, $0xb8;
	[tilespmem:$0x1BE00] =	vst v63  }
0x23: {  	s26 =	sadd.s32 $0x0, s14  }
0x24: {  	[tilespmem:s19], [sflag:$0x3] =	stream.linear.gather [hbm4b:s26+s4], $0x80, $0x38;
	[tilespmem:$0x1BE00] =	vst v63  }
0x25: {  	_ =	swait.ge [sflag:s17], $0x80  }
0x26: {  	s30 =	sadd.s32 $0x0, s13;
	[sflag:s17] =	ssyncset.done $0x0  }
0x27: {  	s28 =	sadd.s32 $0x10, s30;
	[sflag:s17] =	ssyncadd.s32 $0xFFFFFF80  }
0x28: {  	[tilespmem:s21], [sflag:$0x3] =	stream.linear.gather [hbm4b:s28+s4], $0x80, $0x38;
	[tilespmem:$0x1BE00] =	vst v63  }
0x29: {  	_ =	swait.ge [sflag:s17], $0x80  }
0x2a: {  	[sflag:s17] =	ssyncset.done $0x0  }
0x2b: {  	[sflag:s17] =	ssyncadd.s32 $0xFFFFFF80  }
0x2c: {  	_ =	swait.ge [sflag:s22], $0x4000  }
0x2d: {  	[sflag:s22] =	ssyncset.done $0x0  }
0x2e: {  	[sflag:s22] =	ssyncadd.s32 $0xFFFFC000  }
0x2f: {  	[spmem:s3] =	stream.indirect.scatter.add.f32 [tilespmem:s20], [sflag:$0x3], $0x80, s18, s19, $0xb8;
	[tilespmem:$0x1BE00] =	vst v63  }
0x30: {  	_ =	swait.ge [sflag:s17], $0x4000  }
0x31: {  	[sflag:s17] =	ssyncset.done $0x0  }
0x32: {  	[sflag:s17] =	ssyncadd.s32 $0xFFFFC000  }
0x33: {  	[tilespmem:s23], [sflag:$0x2] =	stream.indirect.gather [hbm4b:s1+s19], $0x80, s19, s19, $0xb8;
	[tilespmem:$0x1BE00] =	vst v63  }
0x34: {  	s31 =	sadd.s32 $0x0, s15  }
0x35: {  	[tilespmem:s4], [sflag:$0x3] =	stream.linear.gather [hbm4b:s31+s4], $0x80, $0x38;
	[tilespmem:$0x1BE00] =	vst v63  }
0x36: {  	_ =	swait.ge [sflag:s17], $0x80  }
0x37: {  	[sflag:s17] =	ssyncset.done $0x0  }
0x38: {  	s26 =	sadd.s32 $0x20, s30;
	[sflag:s17] =	ssyncadd.s32 $0xFFFFFF80  }
0x39: {  	[tilespmem:s18], [sflag:$0x3] =	stream.linear.gather [hbm4b:s26+s4], $0x80, $0x38;
	[tilespmem:$0x1BE00] =	vst v63  }
0x3a: {  	_ =	swait.ge [sflag:s17], $0x80  }
0x3b: {  	[sflag:s17] =	ssyncset.done $0x0  }
0x3c: {  	[sflag:s17] =	ssyncadd.s32 $0xFFFFFF80  }
0x3d: {  	_ =	swait.ge [sflag:s24], $0x4000  }
0x3e: {  	[sflag:s24] =	ssyncset.done $0x0  }
0x3f: {  	[sflag:s24] =	ssyncadd.s32 $0xFFFFC000  }
0x40: {  	[spmem:s3] =	stream.indirect.scatter.add.f32 [tilespmem:s23], [sflag:$0x3], $0x80, s21, s19, $0xb8;
	[tilespmem:$0x1BE00] =	vst v63  }
0x41: {  	_ =	swait.ge [sflag:s17], $0x4000  }
0x42: {  	s26 =	simm.s32 $0x20;
	[sflag:s17] =	ssyncset.done $0x0  }
.LBB2_2:
0x43: {  	p0 =	sne.s32 s26, $0x4C0  }
0x44: {  	[sflag:s17] =	ssyncadd.s32 $0xFFFFC000;
	s28 =	smov.u32 s26;
	s26 =	sadd.s32 $0x20, s26  }
0x45: {  	[tilespmem:s20], [sflag:$0x1] =	stream.indirect.gather [hbm4b:s1+s19], $0x80, s4, s19, $0xb8;
	[tilespmem:$0x1BE00] =	vst v63  }
0x46: {  	s29 =	sadd.s32 s28, s14  }
0x47: {  	[tilespmem:s19], [sflag:$0x3] =	stream.linear.gather [hbm4b:s29+s4], $0x80, $0x38;
	[tilespmem:$0x1BE00] =	vst v63  }
0x48: {  	_ =	swait.ge [sflag:s17], $0x80  }
0x49: {  	s29 =	sadd.s32 s28, s13;
	[sflag:s17] =	ssyncset.done $0x0  }
0x4a: {  	s30 =	sadd.s32 $0x10, s29;
	[sflag:s17] =	ssyncadd.s32 $0xFFFFFF80  }
0x4b: {  	[tilespmem:s21], [sflag:$0x3] =	stream.linear.gather [hbm4b:s30+s4], $0x80, $0x38;
	[tilespmem:$0x1BE00] =	vst v63  }
0x4c: {  	_ =	swait.ge [sflag:s17], $0x80  }
0x4d: {  	[sflag:s17] =	ssyncset.done $0x0  }
0x4e: {  	[sflag:s17] =	ssyncadd.s32 $0xFFFFFF80  }
0x4f: {  	_ =	swait.ge [sflag:s22], $0x4000  }
0x50: {  	[sflag:s22] =	ssyncset.done $0x0  }
0x51: {  	[sflag:s22] =	ssyncadd.s32 $0xFFFFC000  }
0x52: {  	[spmem:s3] =	stream.indirect.scatter.add.f32 [tilespmem:s20], [sflag:$0x3], $0x80, s18, s19, $0xb8;
	[tilespmem:$0x1BE00] =	vst v63  }
0x53: {  	_ =	swait.ge [sflag:s17], $0x4000  }
0x54: {  	[sflag:s17] =	ssyncset.done $0x0  }
0x55: {  	[sflag:s17] =	ssyncadd.s32 $0xFFFFC000  }
0x56: {  	[tilespmem:s23], [sflag:$0x2] =	stream.indirect.gather [hbm4b:s1+s19], $0x80, s19, s19, $0xb8;
	[tilespmem:$0x1BE00] =	vst v63  }
0x57: {  	s28 =	sadd.s32 s28, s15  }
0x58: {  	[tilespmem:s4], [sflag:$0x3] =	stream.linear.gather [hbm4b:s28+s4], $0x80, $0x38;
	[tilespmem:$0x1BE00] =	vst v63  }
0x59: {  	_ =	swait.ge [sflag:s17], $0x80  }
0x5a: {  	[sflag:s17] =	ssyncset.done $0x0  }
0x5b: {  	s28 =	sadd.s32 $0x20, s29;
	[sflag:s17] =	ssyncadd.s32 $0xFFFFFF80  }
0x5c: {  	[tilespmem:s18], [sflag:$0x3] =	stream.linear.gather [hbm4b:s28+s4], $0x80, $0x38;
	[tilespmem:$0x1BE00] =	vst v63  }
0x5d: {  	_ =	swait.ge [sflag:s17], $0x80  }
0x5e: {  	[sflag:s17] =	ssyncset.done $0x0  }
0x5f: {  	[sflag:s17] =	ssyncadd.s32 $0xFFFFFF80  }
0x60: {  	_ =	swait.ge [sflag:s24], $0x4000  }
.Ltmp0:
0x61: {  	[sflag:s24] =	ssyncset.done $0x0;
	(pc) =	sbr.rel @p0 .LBB2_2-.Ltmp0, $4  }
0x62: {  	[sflag:s24] =	ssyncadd.s32 $0xFFFFC000  }
0x63: {  	[spmem:s3] =	stream.indirect.scatter.add.f32 [tilespmem:s23], [sflag:$0x3], $0x80, s21, s19, $0xb8;
	[tilespmem:$0x1BE00] =	vst v63  }
0x64: {  	_ =	swait.ge [sflag:s17], $0x4000  }
0x65: {  	[sflag:s17] =	ssyncset.done $0x0  }
0x66: {  	[sflag:s17] =	ssyncadd.s32 $0xFFFFC000  }
0x67: {  	[tilespmem:s20], [sflag:$0x1] =	stream.indirect.gather [hbm4b:s1+s19], $0x80, s4, s19, $0xb8;
	[tilespmem:$0x1BE00] =	vst v63  }
0x68: {  	_ = 	snop  }
0x69: {  	[tilespmem:s19], [sflag:$0x3] =	stream.linear.gather [hbm4b:s11+s4], $0x80, $0x38;
	[tilespmem:$0x1BE00] =	vst v63  }
0x6a: {  	_ =	swait.ge [sflag:s17], $0x80  }
0x6b: {  	[sflag:s17] =	ssyncset.done $0x0  }
0x6c: {  	[sflag:s17] =	ssyncadd.s32 $0xFFFFFF80  }
0x6d: {  	[tilespmem:s21], [sflag:$0x3] =	stream.linear.gather [hbm4b:s12+s4], $0x80, $0x38;
	[tilespmem:$0x1BE00] =	vst v63  }
0x6e: {  	_ =	swait.ge [sflag:s17], $0x80  }
0x6f: {  	[sflag:s17] =	ssyncset.done $0x0  }
0x70: {  	[sflag:s17] =	ssyncadd.s32 $0xFFFFFF80  }
0x71: {  	_ =	swait.ge [sflag:s22], $0x4000  }
0x72: {  	[sflag:s22] =	ssyncset.done $0x0  }
0x73: {  	[sflag:s22] =	ssyncadd.s32 $0xFFFFC000  }
0x74: {  	[spmem:s3] =	stream.indirect.scatter.add.f32 [tilespmem:s20], [sflag:$0x3], $0x80, s18, s19, $0xb8;
	[tilespmem:$0x1BE00] =	vst v63  }
0x75: {  	_ =	swait.ge [sflag:s17], $0x4000  }
0x76: {  	[sflag:s17] =	ssyncset.done $0x0  }
0x77: {  	[sflag:s17] =	ssyncadd.s32 $0xFFFFC000  }
0x78: {  	[tilespmem:s23], [sflag:$0x2] =	stream.indirect.gather [hbm4b:s1+s19], $0x80, s19, s19, $0xb8;
	[tilespmem:$0x1BE00] =	vst v63  }
0x79: {  	_ =	swait.ge [sflag:s24], $0x4000  }
0x7a: {  	[sflag:s24] =	ssyncset.done $0x0  }
0x7b: {  	[sflag:s24] =	ssyncadd.s32 $0xFFFFC000  }
0x7c: {  	[spmem:s3] =	stream.indirect.scatter.add.f32 [tilespmem:s23], [sflag:$0x3], $0x80, s21, s19, $0xb8;
	[tilespmem:$0x1BE00] =	vst v63  }
0x7d: {  	_ =	swait.ge [sflag:s17], $0x4000  }
0x7e: {  	s25 =	sadd.s32 $0x1, s25;
	[sflag:s17] =	ssyncset.done $0x0  }
0x7f: {  	p0 =	sne.s32 s25, s10;
	[sflag:s17] =	ssyncadd.s32 $0xFFFFC000  }
.Ltmp1:
0x80: {  	[bflag:$0x0] =	sbarrier.arrive $0xFFFF;
	(pc) =	sbr.rel @p0 .LBB2_1-.Ltmp1, $4  }
0x81: {  	[hbm:s9], [sflag:s6] =	dma.local [spmem:s16], $0x2780  }
0x82: {  	_ =	swait.ge [sflag:s17], $0x2780  }
0x83: {  	[sflag:s17] =	ssyncset.done $0x0  }
0x84: {  	[sflag:s17] =	ssyncadd.s32 $0xFFFFD880  }
0x85: {  	_ =	sfence.sel $0x180000  }
0x86: {  	[bflag:$0x0] =	sbarrier.arrive $0xFFFF  }
0x87: {  	p0 =	sne.s32 s2, $0x0;
	_ =	strace $0x9000004A  }
0x88: {  	s0 =	sadd.s32 @!p0 $0x100000, s0;
	[bflag:$0x2] =	sbarrier.arrive $0xFFFF  }
0x89: {  	[sflag:s0] =	ssyncadd.tile.s32 @!p0 $0x1;
	_ =	shalt  }
.Lfunc_end2:
_tile_overlayer_lowered:
.L_overlay_start_2:
0x8a: {  	(tag) =	ssettag $0x2  }
0x8b: {  	s0 =	rddreg [dreg:$0x0];
	s2 =	stileid.u32  }
0x8c: {  	s1 =	rddreg [dreg:$0x1];
	p0 =	sne.s32 s2, $0x0  }
0x8d: {  	s3 =	rddreg [dreg:$0x2];
	[bflag:$0x3] =	sbarrier.arrive $0xFFFF;
	s2 =	simm.s32 @!p0 $0x1C03  }
0x8e: {  	[timem:s3], [sflag:s2] =	dma.local @!p0 [hbm:s0], s1  }
0x8f: {  	s0 =	simm.s32 @!p0 $0x3  }
0x90: {  	_ =	swait.ge @!p0 [sflag:s0], s1  }
0x91: {  	s1 =	ssub.s32 @!p0 $0x0, s1;
	[sflag:s0] =	ssyncset.done @!p0 $0x0  }
0x92: {  	[sflag:s0] =	ssyncadd.s32 @!p0 s1  }
0x93: {  	[bflag:$0x3] =	sbarrier.arrive $0xFFFF  }
0x94: {  	_ =	shalt  }

// kernel: kernel.7.cloned.1.call-start
scs
__scs_entry_jumppad:
0x0: {  	(pc) =	sbr.rel $0x88, $3  }
0x1: {  	(tag) =	ssettag $0x0;
	lr =	simm.s32 $0x1  }
0x2: {  	[smem:$0x3F9B] =	sst lr;
	_ =	strace $0xD0000000  }
0x3: {  	_ = 	snop  }
0x4: {  	_ = 	snop  }
0x5: {  	_ = 	snop  }
0x6: {  	_ = 	snop  }
0x7: {  	_ = 	snop  }
__scs_overlays_trampoline_lowered:
0x8: {  	[smem:$0x3FAA] =	sst s0  }
0x9: {  	[smem:$0x3FAB] =	sst s1  }
0xa: {  	[smem:$0x3FAC] =	sst s2  }
0xb: {  	[smem:$0x3FAD] =	sst s3  }
0xc: {  	[smem:$0x3FAE] =	sst s4  }
0xd: {  	[smem:$0x3FAF] =	sst s5  }
0xe: {  	[smem:$0x3FB0] =	sst s6  }
0xf: {  	[smem:$0x3FB1] =	sst s7  }
0x10: {  	[smem:$0x3FB2] =	sst s8  }
0x11: {  	[smem:$0x3FB3] =	sst s9;
	s0 =	simm.s32 @!p0 $0x0  }
0x12: {  	s1 =	sld [smem:$0x3F99];
	s0 =	simm.s32 @p0 $0x1  }
0x13: {  	[smem:$0x3FB4] =	sst s0;
	s0 =	simm.s32 @!p1 $0x0  }
0x14: {  	s2 =	sld [smem:$0x3F98];
	s0 =	simm.s32 @p1 $0x1  }
0x15: {  	[smem:$0x3FB5] =	sst s0;
	s0 =	simm.s32 @!p2 $0x0  }
0x16: {  	s3 =	sld [smem:$0x3FDB];
	s0 =	simm.s32 @p2 $0x1  }
0x17: {  	s4 =	simm.s32 $0x1BF5;
	[smem:$0x3FB7] =	sst s0  }
0x18: {  	s0 =	sld [smem:$0x3F9A];
	_ =	swait.ge [sflag:s4], $0x0  }
0x19: {  	s7 =	sld [smem:$0x3F9B]  }
0x1a: {  	s8 =	sadd.s32 $0xFFFFE003, lr  }
0x1b: {  	s9 =	sadd.s32 $0xFFFFFEF7, lr;
	s5 =	simm.s32 $0xFFFFFFFF;
	p2 =	slt.u32 s8, $0xFFFFF086  }
0x1c: {  	p1 =	slt.u32 s9, $0xF7A;
	s5 =	simm.s32 @!p2 $0x0  }
0x1d: {  	s5 =	simm.s32 @p1 $0x1;
	p0 =	seq.s32 s7, s2  }
0x1e: {  	s7 =	smul.u32 @!p0 $0xF7A, s2;
	p2 =	seq.s32 @!p0 s5, $0x0  }
0x1f: {  	s9 =	smul.u32 $0xF7A, s1;
	s8 =	simm.s32 @!p0 $0x1BF5;
	p2 =	por !p2, p0  }
0x20: {  	[sflag:s8] =	ssyncset.s32 @!p0 $0xFFFFF086;
	s6 =	sadd.s32 @!p0 s3, s7;
	s7 =	simm.s32 @!p0 $0x108  }
0x21: {  	s3 =	sadd.s32 s3, s9;
	s6 =	sadd.s32 @!p0 $0x88, s6;
	s7 =	simm.s32 @p2 $0x1082  }
0x22: {  	[simem:s7], [sflag:s8] =	dma.local @!p0 [hbm:s6], $0xF7A  }
0x23: {  	s9 =	sor.u32 $0xD0000000, s2;
	s6 =	simm.s32 $0x108;
	_ =	swait.ge @!p0 [sflag:s8], $0x0  }
0x24: {  	s3 =	sadd.s32 $0x88, s3;
	s6 =	simm.s32 @!p1 $0x1082;
	[sflag:s4] =	ssyncset.s32 $0xFFFFF086  }
0x25: {  	[simem:s6], [sflag:s4] =	dma.local [hbm:s3], $0xF7A  }
0x26: {  	[smem:$0x3F9B] =	sst s1;
	(tag) =	ssettag s2;
	_ =	strace s9  }
0x27: {  	s1 =	sld [smem:$0x3FAB]  }
0x28: {  	s2 =	sld [smem:$0x3FAC]  }
0x29: {  	s4 =	sld [smem:$0x3FAE]  }
0x2a: {  	p0 =	seq.s32 s5, $0x0;
	s5 =	sld [smem:$0x3FAF]  }
0x2b: {  	s6 =	sld [smem:$0x3FB0]  }
0x2c: {  	s7 =	sld [smem:$0x3FB1]  }
0x2d: {  	s3 =	simm.s32 $0x108;
	s8 =	sld [smem:$0x3FB2]  }
0x2e: {  	s3 =	simm.s32 @!p0 $0x1082;
	s9 =	sld [smem:$0x3FB3]  }
0x2f: {  	lr =	sadd.s32 s0, s3;
	s0 =	sld [smem:$0x3FAA]  }
0x30: {  	s3 =	sld [smem:$0x3FAD]  }
0x31: {  	[smem:$0x3FB6] =	sst s10  }
0x32: {  	s10 =	sld [smem:$0x3FB4];
	_ =	sdelay $0x3  }
0x33: {  	p0 =	seq.s32 s10, $0x1;
	s10 =	sld [smem:$0x3FB6];
	_ =	sdelay $0x3  }
0x34: {  	[smem:$0x3FB6] =	sst s10  }
0x35: {  	s10 =	sld [smem:$0x3FB5];
	_ =	sdelay $0x3  }
0x36: {  	p1 =	seq.s32 s10, $0x1;
	s10 =	sld [smem:$0x3FB6];
	_ =	sdelay $0x3  }
0x37: {  	[smem:$0x3FB6] =	sst s10  }
0x38: {  	s10 =	sld [smem:$0x3FB7]  }
0x39: {  	_ = 	snop;
	(pc) =	sbr.ind lr, $3  }
0x3a: {  	_ = 	snop  }
0x3b: {  	_ = 	snop  }
0x3c: {  	p2 =	seq.s32 s10, $0x1;
	s10 =	sld [smem:$0x3FB6]  }
0x3d: {  	_ =	shalt  }
0x3e: {  	_ =	shalt  }
0x3f: {  	_ =	shalt  }
0x40: {  	_ =	shalt  }
0x41: {  	_ =	shalt  }
0x42: {  	_ =	shalt  }
0x43: {  	_ =	shalt  }
0x44: {  	_ =	shalt  }
0x45: {  	_ =	shalt  }
0x46: {  	_ =	shalt  }
0x47: {  	_ =	shalt  }
0x48: {  	_ =	shalt  }
0x49: {  	_ =	shalt  }
0x4a: {  	_ =	shalt  }
0x4b: {  	_ =	shalt  }
0x4c: {  	_ =	shalt  }
0x4d: {  	_ =	shalt  }
0x4e: {  	_ =	shalt  }
0x4f: {  	_ =	shalt  }
0x50: {  	_ =	shalt  }
0x51: {  	_ =	shalt  }
0x52: {  	_ =	shalt  }
0x53: {  	_ =	shalt  }
0x54: {  	_ =	shalt  }
0x55: {  	_ =	shalt  }
0x56: {  	_ =	shalt  }
0x57: {  	_ =	shalt  }
0x58: {  	_ =	shalt  }
0x59: {  	_ =	shalt  }
0x5a: {  	_ =	shalt  }
0x5b: {  	_ =	shalt  }
0x5c: {  	_ =	shalt  }
0x5d: {  	_ =	shalt  }
0x5e: {  	_ =	shalt  }
0x5f: {  	_ =	shalt  }
0x60: {  	_ =	shalt  }
0x61: {  	_ =	shalt  }
0x62: {  	_ =	shalt  }
0x63: {  	_ =	shalt  }
0x64: {  	_ =	shalt  }
0x65: {  	_ =	shalt  }
0x66: {  	_ =	shalt  }
0x67: {  	_ =	shalt  }
0x68: {  	_ =	shalt  }
0x69: {  	_ =	shalt  }
0x6a: {  	_ =	shalt  }
0x6b: {  	_ =	shalt  }
0x6c: {  	_ =	shalt  }
0x6d: {  	_ =	shalt  }
0x6e: {  	_ =	shalt  }
0x6f: {  	_ =	shalt  }
0x70: {  	_ =	shalt  }
0x71: {  	_ =	shalt  }
0x72: {  	_ =	shalt  }
0x73: {  	_ =	shalt  }
0x74: {  	_ =	shalt  }
0x75: {  	_ =	shalt  }
0x76: {  	_ =	shalt  }
0x77: {  	_ =	shalt  }
0x78: {  	_ =	shalt  }
0x79: {  	_ =	shalt  }
0x7a: {  	_ =	shalt  }
0x7b: {  	_ =	shalt  }
0x7c: {  	_ =	shalt  }
0x7d: {  	_ =	shalt  }
0x7e: {  	_ =	shalt  }
0x7f: {  	_ =	shalt  }
0x80: {  	_ =	shalt  }
0x81: {  	_ =	shalt  }
0x82: {  	_ =	shalt  }
0x83: {  	_ =	shalt  }
0x84: {  	_ =	shalt  }
0x85: {  	_ =	shalt  }
0x86: {  	_ =	shalt  }
0x87: {  	_ =	shalt  }
.Lfunc_end0:
.L_simem_size_0:
called_computation_lowered:
.L_overlay_start_0:
0x88: {  	s2 =	sld [smem:$0x3FD9]  }
0x89: {  	s3 =	sld [smem:$0x3FFE];
	_ =	sdelay $0x1  }
0x8a: {  	s1 =	srdreg.scid  }
0x8b: {  	s0 =	sand.u32 $0x1, s1  }
0x8c: {  	s17 =	sshll.u32 s0, $0xA;
	s2 =	sadd.s32 s3, s2  }
0x8d: {  	s2 =	sadd.s32 s2, s17  }
0x8e: {  	[smem:$0x3FC2] =	sst s2  }
0x8f: {  	_ = 	snop  }
0x90: {  	s2 =	sld [smem:$0x3FD0];
	(tm) =	ssettm $0x1  }
0x91: {  	s18 =	sld [smem:$0x3FFB];
	_ =	sdelay $0x3  }
0x92: {  	_ =	strace s18  }
0x93: {  	s3 =	sld [smem:$0x3FFC];
	_ =	sdelay $0x3  }
0x94: {  	_ =	strace s3  }
0x95: {  	s3 =	sld [smem:$0x3FFD];
	_ =	sdelay $0x3  }
0x96: {  	_ =	strace s3  }
0x97: {  	_ =	strace $0x8FFFFFFF  }
0x98: {  	s19 =	sld [smem:$0x3FDB];
	_ =	sdelay $0x1  }
0x99: {  	s4 =	simm.s32 $_scs_section_size  }
0x9a: {  	s5 =	simm.s32 $_size__tile_overlayer_lowered;
	s6 =	simm.s32 $_tile_overlayer_lowered  }
0x9b: {  	s22 =	simm.s32 $0x1BFF;
	s21 =	sshll.u32 s6, $0x1;
	s3 =	sadd.s32 s4, s19  }
0x9c: {  	s7 =	simm.s32 $0x0;
	s20 =	sshll.u32 s5, $0x1;
	s5 =	sadd.s32 s21, s3  }
0x9d: {  	[timem:s7], [sflag:s22] =	dma.local [hbm:s5], s20  }
0x9e: {  	_ =	swait.ge [sflag:s22], s20  }
0x9f: {  	s4 =	ssub.s32 $0x0, s20;
	[sflag:s22] =	ssyncset.done $0x0  }
0xa0: {  	[sflag:s22] =	ssyncadd.s32 s4;
	_ =	sdelay $0x1  }
0xa1: {  	s23 =	simm.s32 $0x1B8B  }
0xa2: {  	_ =	swait.ge [sflag:s23], $0x1  }
0xa3: {  	[sflag:s23] =	ssyncset.done $0x0  }
0xa4: {  	s25 =	simm.s32 $0x1B8E;
	s24 =	sld [smem:$0x3FFE];
	[sflag:s23] =	ssyncadd.s32 $0xFFFFFFFF  }
0xa5: {  	s26 =	simm.s32 $execute0_lowered;
	[smem:$0x3FD2] =	sst s25  }
0xa6: {  	s5 =	sshll.u32 s26, $0x1;
	_ =	strace $0x80000046;
	[dreg:$0x1] =	wrdreg $0xFFFFFFFF  }
0xa7: {  	s28 =	simm.s32 $_size_execute0_lowered;
	s3 =	sadd.s32 s3, s5;
	[dreg:$0x0] =	wrdreg $0x0  }
0xa8: {  	s5 =	sshll.u32 s28, $0x1;
	[dreg:$0x2] =	wrdreg s3  }
0xa9: {  	[dreg:$0x3] =	wrdreg s5  }
0xaa: {  	[dreg:$0x4] =	wrdreg $0xC0  }
0xab: {  	_ =	task [dreg:s7], $0x5FFFF  }
0xac: {  	[dreg:$0x1] =	wrdreg $0xFFFFFFFF  }
0xad: {  	[dreg:$0x0] =	wrdreg $0x60  }
0xae: {  	[dreg:$0x2] =	wrdreg s24  }
0xaf: {  	[dreg:$0x3] =	wrdreg s2  }
0xb0: {  	[dreg:$0x4] =	wrdreg $0x40800  }
0xb1: {  	[dreg:$0x5] =	wrdreg $0x9  }
0xb2: {  	_ =	task.clear_ibuf [dreg:s7], $0x6FFFF;
	_ =	strace $0x90000046  }
0xb3: {  	s29 =	simm.s32 $0x9;
	_ =	strace $0x80000048  }
0xb4: {  	_ =	swait.ge [sflag:s29], $0x1  }
0xb5: {  	[sflag:s29] =	ssyncadd.s32 $0xFFFFFFFF  }
0xb6: {  	_ =	strace $0x90000048  }
0xb7: {  	_ =	sfence  }
0xb8: {  	s30 =	sld [smem:$0x0];
	_ =	sdelay $0x2  }
0xb9: {  	s31 =	sshll.u32 s1, $0xD;
	s1 =	sshrl.u32 s1, $0x2  }
0xba: {  	s3 =	sand.u32 $0x4000, s31;
	s1 =	sadd.s32 s1, s30  }
0xbb: {  	s0 =	sor.u32 s3, s0;
	s1 =	sshll.u32 s1, $0x11  }
0xbc: {  	s0 =	sor.u32 s1, s0  }
0xbd: {  	s0 =	sadd.s32 $0x8F2B, s0  }
0xbe: {  	[sflag:s0] =	ssyncadd.remote.s32 $0x1  }
0xbf: {  	_ =	sfence.sel $0xFFFF  }
0xc0: {  	[dreg:$0x0] =	wrdreg $0xFFFFFFFF;
	(pc) =	sbr.abs _section_cstart, $3  }
0xc1: {  	[dreg:$0x1] =	wrdreg $0xFFFFFFFF  }
0xc2: {  	_ =	task.clear_ibuf [dreg:s7], $0x2FFFF;
	_ =	strace $0x9FFFFFFF  }
0xc3: {  	(tm) =	ssettm $0x7FFFFFFF  }
tec
execute0_lowered:
.L_overlay_start_1:
0x0: {  	(tag) =	ssettag $0x1  }
0x1: {  	s6 =	rddreg [dreg:$0x0]  }
0x2: {  	s1 =	rddreg [dreg:$0x1];
	s2 =	stileid.u32  }
0x3: {  	s0 =	srdreg.scid;
	s8 =	smul.u32 $0x2780, s2  }
0x4: {  	s3 =	rddreg [dreg:$0x2];
	s4 =	simm.s32 $0x0;
	s28 =	smul.u32 $0x4F000, s2  }
0x5: {  	s7 =	sand.u32 $0x1, s0;
	s0 =	rddreg [dreg:$0x3];
	s11 =	smul.u32 $0x280, s2  }
0x6: {  	[smem:$0x7FF] =	sst s4;
	s5 =	smul.u32 $0x2800, s7  }
0x7: {  	s30 =	sshll.u32 s2, $0x6;
	s9 =	smul.u32 $0x27800, s7;
	s29 =	ssub.s32 $0x2, s7  }
0x8: {  	_ =	strace $0x80000047;
	s7 =	sshrl.u32 s29, $0x1;
	s10 =	sadd.s32 s5, s6  }
0x9: {  	s8 =	sadd.s32 s8, s9;
	s5 =	sadd.s32 $0x7400, s6;
	s9 =	sshrl.u32 s28, $0x2  }
0xa: {  	s12 =	ssub.s32 s29, s7;
	s8 =	sadd.s32 s8, s6;
	s13 =	sadd.s32 s9, s3  }
0xb: {  	s6 =	sor.u32 $0x1C01, s30;
	s31 =	sadd.s32 s11, s10;
	s11 =	simm.s32 $0x1  }
0xc: {  	s7 =	sadd.s32 $0x9C00, s8;
	s8 =	smax.u32 s12, $0x1;
	s9 =	sadd.s32 $0x2400, s31  }
0xd: {  	s10 =	sshrl.u32 s13, $0x3;
	s12 =	simm.s32 $0x80;
	s13 =	simm.s32 $0x0  }
.LBB2_1:
0xe: {  	[spmem:s10], [sflag:s6] =	dma.local [hbm:s5], $0x2780  }
0xf: {  	_ =	swait.ge [sflag:s11], $0x2780  }
0x10: {  	[sflag:s11] =	ssyncset.done $0x0  }
0x11: {  	[sflag:s11] =	ssyncadd.s32 $0xFFFFD880  }
0x12: {  	[tilespmem:s12], [sflag:$0x1] =	stream.linear.gather [hbm4b:s1+s4], $0x4000, $0x38;
	[tilespmem:$0x17C80] =	vst v63  }
0x13: {  	_ =	swait.ge [sflag:s11], $0x4000  }
0x14: {  	[sflag:s11] =	ssyncset.done $0x0  }
0x15: {  	[sflag:s11] =	ssyncadd.s32 $0xFFFFC000  }
0x16: {  	s14 =	sadd.s32 $0x0, s9;
	[bflag:$0x0] =	sbarrier.arrive $0xFFFF  }
0x17: {  	[tilespmem:s4], [sflag:$0x1] =	stream.linear.gather [hbm4b:s14+s4], $0x80, $0x38;
	[tilespmem:$0x17C80] =	vst v63  }
0x18: {  	_ =	swait.ge [sflag:s11], $0x80  }
0x19: {  	[sflag:s11] =	ssyncset.done $0x0  }
0x1a: {  	[sflag:s11] =	ssyncadd.s32 $0xFFFFFF80  }
0x1b: {  	[spmem:s3] =	stream.indirect.scatter.add.f32 [tilespmem:s12], [sflag:$0x1], $0x80, s4, s12, $0xb8;
	[tilespmem:$0x17C80] =	vst v63  }
0x1c: {  	_ =	swait.ge [sflag:s11], $0x4000  }
0x1d: {  	s15 =	simm.s32 $0x20;
	s14 =	simm.s32 $0x10;
	[sflag:s11] =	ssyncset.done $0x0  }
.LBB2_2:
0x1e: {  	s16 =	sadd.s32 s14, s9  }
0x1f: {  	[sflag:s11] =	ssyncadd.s32 $0xFFFFC000;
	s14 =	smov.u32 s15;
	s17 =	sadd.s32 $0x10, s15  }
0x20: {  	[tilespmem:s4], [sflag:$0x1] =	stream.linear.gather [hbm4b:s16+s4], $0x80, $0x38;
	[tilespmem:$0x17C80] =	vst v63  }
0x21: {  	p0 =	sne.s32 s15, $0x270;
	_ =	swait.ge [sflag:s11], $0x80  }
.Ltmp0:
0x22: {  	[sflag:s11] =	ssyncset.done $0x0;
	(pc) =	sbr.rel @p0 .LBB2_2-.Ltmp0, $4  }
0x23: {  	[sflag:s11] =	ssyncadd.s32 $0xFFFFFF80  }
0x24: {  	[spmem:s3] =	stream.indirect.scatter.add.f32 [tilespmem:s12], [sflag:$0x1], $0x80, s4, s12, $0xb8;
	[tilespmem:$0x17C80] =	vst v63  }
0x25: {  	_ =	swait.ge [sflag:s11], $0x4000  }
0x26: {  	s15 =	smov.u32 s17;
	[sflag:s11] =	ssyncset.done $0x0  }
0x27: {  	s14 =	sadd.s32 s14, s9;
	[sflag:s11] =	ssyncadd.s32 $0xFFFFC000  }
0x28: {  	[tilespmem:s4], [sflag:$0x1] =	stream.linear.gather [hbm4b:s14+s4], $0x80, $0x38;
	[tilespmem:$0x17C80] =	vst v63  }
0x29: {  	_ =	swait.ge [sflag:s11], $0x80  }
0x2a: {  	[sflag:s11] =	ssyncset.done $0x0  }
0x2b: {  	[sflag:s11] =	ssyncadd.s32 $0xFFFFFF80  }
0x2c: {  	[spmem:s3] =	stream.indirect.scatter.add.f32 [tilespmem:s12], [sflag:$0x1], $0x80, s4, s12, $0xb8;
	[tilespmem:$0x17C80] =	vst v63  }
0x2d: {  	_ =	swait.ge [sflag:s11], $0x4000  }
0x2e: {  	s13 =	sadd.s32 $0x1, s13;
	[sflag:s11] =	ssyncset.done $0x0  }
0x2f: {  	p0 =	sne.s32 s13, s8;
	[sflag:s11] =	ssyncadd.s32 $0xFFFFC000  }
.Ltmp1:
0x30: {  	[bflag:$0x0] =	sbarrier.arrive $0xFFFF;
	(pc) =	sbr.rel @p0 .LBB2_1-.Ltmp1, $4  }
0x31: {  	[hbm:s7], [sflag:s6] =	dma.local [spmem:s10], $0x2780  }
0x32: {  	_ =	swait.ge [sflag:s11], $0x2780  }
0x33: {  	[sflag:s11] =	ssyncset.done $0x0  }
0x34: {  	[sflag:s11] =	ssyncadd.s32 $0xFFFFD880  }
0x35: {  	_ =	sfence.sel $0x180000  }
0x36: {  	[bflag:$0x0] =	sbarrier.arrive $0xFFFF  }
0x37: {  	p0 =	sne.s32 s2, $0x0;
	_ =	strace $0x90000047  }
0x38: {  	s0 =	sadd.s32 @!p0 $0x100000, s0;
	[bflag:$0x2] =	sbarrier.arrive $0xFFFF  }
0x39: {  	[sflag:s0] =	ssyncadd.tile.s32 @!p0 $0x1;
	_ =	shalt  }
.Lfunc_end2:
_tile_overlayer_lowered:
.L_overlay_start_2:
0x3a: {  	(tag) =	ssettag $0x2  }
0x3b: {  	s0 =	rddreg [dreg:$0x0];
	s2 =	stileid.u32  }
0x3c: {  	s1 =	rddreg [dreg:$0x1];
	p0 =	sne.s32 s2, $0x0  }
0x3d: {  	s3 =	rddreg [dreg:$0x2];
	[bflag:$0x3] =	sbarrier.arrive $0xFFFF;
	s2 =	simm.s32 @!p0 $0x1C01  }
0x3e: {  	[timem:s3], [sflag:s2] =	dma.local @!p0 [hbm:s0], s1  }
0x3f: {  	s0 =	simm.s32 @!p0 $0x1  }
0x40: {  	_ =	swait.ge @!p0 [sflag:s0], s1  }
0x41: {  	s1 =	ssub.s32 @!p0 $0x0, s1;
	[sflag:s0] =	ssyncset.done @!p0 $0x0  }
0x42: {  	[sflag:s0] =	ssyncadd.s32 @!p0 s1  }
0x43: {  	[bflag:$0x3] =	sbarrier.arrive $0xFFFF  }
0x44: {  	_ =	shalt  }

</sc_bundles>
